<compile_context>
chip_gen: v7x
topology: tpu7x:2x2x1
jax: 0.10.2.dev20260603
libtpu: 0.0.44.dev20260713+nightly
codegen_flags: <defaults>
</compile_context>

<pallas_src>
import dataclasses
import functools

import jax
import jax.numpy as jnp
from jax import lax
from jax.experimental import pallas as pl
from jax.experimental.pallas import tpu as pltpu
from jax.experimental.pallas import tpu_sc as plsc

B = 16384
CTX = 10
NEG = 5
D = 64
NVJ = NEG + 1
LANES = 16
NC = 2
NS = 16
NW = NC * NS
BPW = B // NW
CB = 64
NBLK = BPW // CB
W32 = 32
BQ = 1664
OFFS = 150 * BQ
Q = 151 * BQ


def _tc_pack(table):
    tt = table.T
    G = Q // BQ
    GOFF = OFFS // BQ

    def body(s0, s1, s2, s3, o_ref):
        for r, s in enumerate((s0, s1, s2, s3)):
            ai = lax.bitcast_convert_type(s[...], jnp.int32)
            a = ai[0:32, :]
            b = ai[32:64, :]

            def bf16_bits(x):
                rnd = x + jnp.int32(0x7FFF) + \
                    (lax.shift_right_logical(x, 16) & jnp.int32(1))
                return lax.shift_right_logical(rnd, 16)

            val = bf16_bits(a) | lax.shift_left(bf16_bits(b), 16)
            o_ref[32 * r:32 * (r + 1), :] = val

    in_specs = [
        pl.BlockSpec((D, BQ),
                     functools.partial(lambda i, r: (0, i + r * GOFF),
                                       r=r))
        for r in range(4)
    ]
    return pl.pallas_call(
        body,
        grid=(G,),
        in_specs=in_specs,
        out_specs=pl.BlockSpec((128, BQ), lambda i: (0, i)),
        out_shape=jax.ShapeDtypeStruct((128, Q), jnp.int32),
    )(tt, tt, tt, tt)




def _sc_partials(ctx_flat, vidx_flat, u4, v4):
    mesh = plsc.VectorSubcoreMesh(core_axis_name="c", subcore_axis_name="s")
    cp = pltpu.CompilerParams()
    fields = pltpu.CompilerParams.__dataclass_fields__
    kw = {}
    if "needs_layout_passes" in fields:
        kw["needs_layout_passes"] = False
    if "use_tc_tiling_on_sc" in fields:
        kw["use_tc_tiling_on_sc"] = False
    cp = dataclasses.replace(cp, **kw)

    @functools.partial(
        pl.kernel,
        out_type=jax.ShapeDtypeStruct((B * NVJ, LANES), jnp.float32),
        mesh=mesh,
        compiler_params=cp,
        scratch_types=[
            pltpu.VMEM((CB * CTX,), jnp.int32),
            pltpu.VMEM((CB * NVJ,), jnp.int32),
            pltpu.VMEM((CB * CTX, W32), jnp.int32),
            pltpu.VMEM((CB * NVJ, W32), jnp.int32),
            pltpu.VMEM((CB * NVJ, LANES), jnp.float32),
            pltpu.SemaphoreType.DMA,
        ],
    )
    def k(u_hbm, v_hbm, cidx_hbm, vidx_hbm, out_hbm,
          cidx_v, vidx_v, urows_v, vrows_v, part_v, sem):
        wid = lax.axis_index("s") * NC + lax.axis_index("c")

        @pl.loop(0, NBLK)
        def _block(nb):
            base = wid * BPW + nb * CB
            pltpu.sync_copy(cidx_hbm.at[pl.ds(base * CTX, CB * CTX)],
                            cidx_v)
            pltpu.sync_copy(vidx_hbm.at[pl.ds(base * NVJ, CB * NVJ)],
                            vidx_v)
            copies = []
            for r in range(0, CB * CTX, 128):
                n = min(128, CB * CTX - r)
                copies.append(pltpu.async_copy(
                    u_hbm.at[cidx_v.at[pl.ds(r, n)]],
                    urows_v.at[pl.ds(r, n)], sem))
            for r in range(0, CB * NVJ, 128):
                n = min(128, CB * NVJ - r)
                copies.append(pltpu.async_copy(
                    v_hbm.at[vidx_v.at[pl.ds(r, n)]],
                    vrows_v.at[pl.ds(r, n)], sem))
            for c in copies:
                c.wait()

            @pl.loop(0, CB)
            def _elem(i):
                acc = [None, None]
                for j in range(CTX):
                    for c in range(2):
                        ci = urows_v[i * CTX + j, pl.ds(c * 16, 16)]
                        chunk = plsc.bitcast(ci, jnp.bfloat16)
                        acc[c] = chunk if j == 0 else acc[c] + chunk
                uemb = [a * jnp.bfloat16(1.0 / CTX) for a in acc]
                for j6 in range(NVJ):
                    prod = [None, None]
                    for c in range(2):
                        vi = vrows_v[i * NVJ + j6, pl.ds(c * 16, 16)]
                        vchunk = plsc.bitcast(vi, jnp.bfloat16)
                        prod[c] = uemb[c] * vchunk
                    p = prod[0] + prod[1]
                    pi = plsc.bitcast(p, jnp.int32)
                    hi = plsc.bitcast(pi & jnp.int32(-65536), jnp.float32)
                    lo = plsc.bitcast(pi << 16, jnp.float32)
                    tot = hi + lo
                    part_v[i * NVJ + j6, :] = tot if j6 == 0 else -tot

            pltpu.sync_copy(
                part_v,
                out_hbm.at[pl.ds(base * NVJ, CB * NVJ)])

    return k(u4, v4, ctx_flat, vidx_flat)


def _tc_loss(partials):
    R = B * NVJ
    BLK = 8192
    grid = (R // BLK,)

    def body(p_ref, o_ref):
        i = pl.program_id(0)

        @pl.when(i == 0)
        def _():
            o_ref[...] = jnp.zeros_like(o_ref)

        s = jnp.sum(p_ref[...], axis=1)
        o_ref[...] += -jnp.sum(jax.nn.log_sigmoid(s))[None, None]

    out = pl.pallas_call(
        body,
        grid=grid,
        in_specs=[pl.BlockSpec((BLK, LANES), lambda i: (i, 0))],
        out_specs=pl.BlockSpec((1, 1), lambda i: (0, 0)),
        out_shape=jax.ShapeDtypeStruct((1, 1), jnp.float32),
    )(partials)
    return out[0, 0]


def kernel(context, target, negatives, u_table, v_table):
    u4 = _tc_pack(u_table).T.reshape(4 * Q, W32)
    v4 = _tc_pack(v_table).T.reshape(4 * Q, W32)
    ctx_flat = context.astype(jnp.int32).reshape(B * CTX)
    vidx_flat = jnp.concatenate(
        [target[:, None], negatives], axis=1).astype(jnp.int32).reshape(
            B * NVJ)
    cs = jnp.minimum(ctx_flat // OFFS, 3)
    vs = jnp.minimum(vidx_flat // OFFS, 3)
    ctx_flat = 4 * (ctx_flat - cs * OFFS) + cs
    vidx_flat = 4 * (vidx_flat - vs * OFFS) + vs
    partials = _sc_partials(ctx_flat, vidx_flat, u4, v4)
    return _tc_loss(partials)

# --- scband reference (transcript-rebuilt; emitter-appended) ---
"""Pipeline reference for scband-word2vec-83623013253377 (READ-ONLY COPY).

The authoritative reference and input builder live on the scoring server;
editing this copy changes nothing except your own understanding.
"""

import jax, jax.numpy as jnp
import numpy as np

VOCAB = 1000000 + 1  # module adds +1 internally
DIM = 64
B = 16384
CTX = 10
NEG = 5

def setup_inputs(seed: int = 0) -> dict:
    key = jax.random.key(seed)
    k1, k2, k3, k4, k5 = jax.random.split(key, 5)
    context = jax.random.randint(k1, (B, CTX), 0, 1000000, dtype=jnp.int64 if jax.config.jax_enable_x64 else jnp.int32)
    target = jax.random.randint(k2, (B,), 0, 1000000, dtype=jnp.int64 if jax.config.jax_enable_x64 else jnp.int32)
    negatives = jax.random.randint(k3, (B, NEG), 0, 1000000, dtype=jnp.int64 if jax.config.jax_enable_x64 else jnp.int32)
    initrange = 0.5 / DIM
    u_table = jax.random.uniform(k4, (VOCAB, DIM), dtype=jnp.float32, minval=-initrange, maxval=initrange)
    # torch init sets v to zeros; use small random values so the computation is non-degenerate
    v_table = jax.random.uniform(k5, (VOCAB, DIM), dtype=jnp.float32, minval=-initrange, maxval=initrange)
    return {"context": context, "target": target, "negatives": negatives, "u_table": u_table, "v_table": v_table}

def reference(context, target, negatives, u_table, v_table):
    # u_emb = mean of context embeddings (CBOW-style)
    u_emb = jnp.mean(jnp.take(u_table, context, axis=0), axis=1)            # [B, D]
    # positive score
    v_emb = jnp.take(v_table, target, axis=0)                               # [B, D]
    score = jnp.sum(u_emb * v_emb, axis=1)                                  # [B]
    log_target = jax.nn.log_sigmoid(score)
    # negative scores
    v_emb_neg = jnp.take(v_table, negatives, axis=0)                        # [B, NEG, D]
    neg_score = -1.0 * jnp.sum(u_emb[:, None, :] * v_emb_neg, axis=2)       # [B, NEG]
    log_neg_sample = jax.nn.log_sigmoid(neg_score)
    loss = -1.0 * (jnp.sum(log_target) + jnp.sum(log_neg_sample))
    return loss

if __name__ == "__main__":
    import jax
    _d = setup_inputs()
    print(jax.jit(kernel)(*tuple(_d.values())))

</pallas_src>

<mosaic_0001>
#map = affine_map<(d0, d1) -> (0, 0)>
#map1 = affine_map<(d0, d1) -> (0)>
module attributes {stable_mosaic.version = 14 : i64} {
  func.func @k(%arg0: i32, %arg1: i32, %arg2: memref<1005056x32xi32, #tpu.memory_space<hbm>>, %arg3: memref<1005056x32xi32, #tpu.memory_space<hbm>>, %arg4: memref<163840xi32, #tpu.memory_space<hbm>>, %arg5: memref<98304xi32, #tpu.memory_space<hbm>>, %arg6: memref<98304x16xf32, #tpu.memory_space<hbm>>, %arg7: memref<640xi32, #tpu.memory_space<vmem>>, %arg8: memref<384xi32, #tpu.memory_space<vmem>>, %arg9: memref<640x32xi32, #tpu.memory_space<vmem>>, %arg10: memref<384x32xi32, #tpu.memory_space<vmem>>, %arg11: memref<384x16xf32, #tpu.memory_space<vmem>>, %arg12: memref<!tpu.dma_semaphore, #tpu.memory_space<semaphore_mem>>) attributes {dimension_semantics = [#tpu.dimension_semantics<core_parallel>, #tpu.dimension_semantics<subcore_parallel>], iteration_bounds = array<i64: 2, 16>, scalar_prefetch = 0 : i64, scratch_operands = 6 : i64, tpu.core_type = #tpu.core_type<sc_vector_subcore>, window_params = [{transform_indices = #map}, {transform_indices = #map}, {transform_indices = #map1}, {transform_indices = #map1}, {transform_indices = #map}]} {
    %mul3A = arith.constant 2 : i32
    %mul3A_0 = arith.muli %arg1, %mul3A : i32
    %add3A = arith.addi %mul3A_0, %arg0 : i32
    %scan3A = arith.constant 0 : i32
    %scan3A_1 = arith.constant 8 : i32
    %scan3A_2 = arith.addi %scan3A, %scan3A_1 : i32
    %scan3A_3 = arith.constant 1 : i32
    scf.for %scan3A_5 = %scan3A to %scan3A_2 step %scan3A_3  : i32 {
      %mul3A_6 = arith.constant 1 : i32
      %mul3A_7 = arith.muli %scan3A_5, %mul3A_6 : i32
      %add3A_8 = arith.constant 0 : i32
      %add3A_9 = arith.addi %add3A_8, %mul3A_7 : i32
      %mul3A_10 = arith.constant 512 : i32
      %mul3A_11 = arith.muli %add3A, %mul3A_10 : i32
      %mul3A_12 = arith.constant 64 : i32
      %mul3A_13 = arith.muli %add3A_9, %mul3A_12 : i32
      %add3A_14 = arith.addi %mul3A_11, %mul3A_13 : i32
      %mul3A_15 = arith.constant 10 : i32
      %mul3A_16 = arith.muli %add3A_14, %mul3A_15 : i32
      "tpu.region"() ({
        %run_scoped3A = tpu.sem_alloc : memref<!tpu.dma_semaphore, #tpu.memory_space<semaphore_mem>>
        %dma_start3A_152 = tpu.memref_slice %arg4[%mul3A_16] : memref<163840xi32, #tpu.memory_space<hbm>> -> memref<640xi32, #tpu.memory_space<hbm>>
        %dma_start3A_153 = tpu.memref_slice %arg4[%mul3A_16] : memref<163840xi32, #tpu.memory_space<hbm>> -> memref<640xi32, #tpu.memory_space<hbm>>
        tpu.enqueue_dma source(%dma_start3A_153 : memref<640xi32, #tpu.memory_space<hbm>>) target(%arg7 : memref<640xi32, #tpu.memory_space<vmem>>) target_semaphore(%run_scoped3A : memref<!tpu.dma_semaphore, #tpu.memory_space<semaphore_mem>>)
        %dma_wait3A_154 = tpu.memref_slice %arg4[%mul3A_16] : memref<163840xi32, #tpu.memory_space<hbm>> -> memref<640xi32, #tpu.memory_space<hbm>>
        %dma_wait3A_155 = tpu.memref_slice %arg4[%mul3A_16] : memref<163840xi32, #tpu.memory_space<hbm>> -> memref<640xi32, #tpu.memory_space<hbm>>
        tpu.wait_dma2 semaphore(%run_scoped3A : memref<!tpu.dma_semaphore, #tpu.memory_space<semaphore_mem>>) src(%dma_wait3A_155 : memref<640xi32, #tpu.memory_space<hbm>>) dst(%arg7 : memref<640xi32, #tpu.memory_space<vmem>>)
        tpu.yield
      }) : () -> ()
      %mul3A_17 = arith.constant 6 : i32
      %mul3A_18 = arith.muli %add3A_14, %mul3A_17 : i32
      "tpu.region"() ({
        %run_scoped3A = tpu.sem_alloc : memref<!tpu.dma_semaphore, #tpu.memory_space<semaphore_mem>>
        %dma_start3A_152 = tpu.memref_slice %arg5[%mul3A_18] : memref<98304xi32, #tpu.memory_space<hbm>> -> memref<384xi32, #tpu.memory_space<hbm>>
        %dma_start3A_153 = tpu.memref_slice %arg5[%mul3A_18] : memref<98304xi32, #tpu.memory_space<hbm>> -> memref<384xi32, #tpu.memory_space<hbm>>
        tpu.enqueue_dma source(%dma_start3A_153 : memref<384xi32, #tpu.memory_space<hbm>>) target(%arg8 : memref<384xi32, #tpu.memory_space<vmem>>) target_semaphore(%run_scoped3A : memref<!tpu.dma_semaphore, #tpu.memory_space<semaphore_mem>>)
        %dma_wait3A_154 = tpu.memref_slice %arg5[%mul3A_18] : memref<98304xi32, #tpu.memory_space<hbm>> -> memref<384xi32, #tpu.memory_space<hbm>>
        %dma_wait3A_155 = tpu.memref_slice %arg5[%mul3A_18] : memref<98304xi32, #tpu.memory_space<hbm>> -> memref<384xi32, #tpu.memory_space<hbm>>
        tpu.wait_dma2 semaphore(%run_scoped3A : memref<!tpu.dma_semaphore, #tpu.memory_space<semaphore_mem>>) src(%dma_wait3A_155 : memref<384xi32, #tpu.memory_space<hbm>>) dst(%arg8 : memref<384xi32, #tpu.memory_space<vmem>>)
        tpu.yield
      }) : () -> ()
      %dma_start3A = arith.constant 0 : i32
      %dma_start3A_19 = arith.constant 0 : i32
      %dma_start3A_20 = tpu.memref_slice %arg9[%dma_start3A, %dma_start3A_19] : memref<640x32xi32, #tpu.memory_space<vmem>> -> memref<128x32xi32, #tpu.memory_space<vmem>>
      %dma_start3A_21 = arith.constant 0 : i32
      %dma_start3A_22 = tpu.memref_slice %arg7[%dma_start3A_21] : memref<640xi32, #tpu.memory_space<vmem>> -> memref<128xi32, #tpu.memory_space<vmem>>
      %dma_start3A_23 = arith.constant 0 : i32
      %dma_start3A_24 = arith.constant 0 : i32
      %dma_start3A_25 = tpu.memref_slice %arg2[%dma_start3A_23, %dma_start3A_24] : memref<1005056x32xi32, #tpu.memory_space<hbm>> -> memref<1005056x32xi32, #tpu.memory_space<hbm>>
      tpu.enqueue_indirect_dma source(%dma_start3A_25 : memref<1005056x32xi32, #tpu.memory_space<hbm>>) target(%dma_start3A_20 : memref<128x32xi32, #tpu.memory_space<vmem>>) offsets(%dma_start3A_22 : memref<128xi32, #tpu.memory_space<vmem>>) semaphore(%arg12 : memref<!tpu.dma_semaphore, #tpu.memory_space<semaphore_mem>>)
      %dma_start3A_26 = arith.constant 128 : i32
      %dma_start3A_27 = arith.constant 0 : i32
      %dma_start3A_28 = tpu.memref_slice %arg9[%dma_start3A_26, %dma_start3A_27] : memref<640x32xi32, #tpu.memory_space<vmem>> -> memref<128x32xi32, #tpu.memory_space<vmem>>
      %dma_start3A_29 = arith.constant 128 : i32
      %dma_start3A_30 = tpu.memref_slice %arg7[%dma_start3A_29] : memref<640xi32, #tpu.memory_space<vmem>> -> memref<128xi32, #tpu.memory_space<vmem>>
      %dma_start3A_31 = arith.constant 0 : i32
      %dma_start3A_32 = arith.constant 0 : i32
      %dma_start3A_33 = tpu.memref_slice %arg2[%dma_start3A_31, %dma_start3A_32] : memref<1005056x32xi32, #tpu.memory_space<hbm>> -> memref<1005056x32xi32, #tpu.memory_space<hbm>>
      tpu.enqueue_indirect_dma source(%dma_start3A_33 : memref<1005056x32xi32, #tpu.memory_space<hbm>>) target(%dma_start3A_28 : memref<128x32xi32, #tpu.memory_space<vmem>>) offsets(%dma_start3A_30 : memref<128xi32, #tpu.memory_space<vmem>>) semaphore(%arg12 : memref<!tpu.dma_semaphore, #tpu.memory_space<semaphore_mem>>)
      %dma_start3A_34 = arith.constant 256 : i32
      %dma_start3A_35 = arith.constant 0 : i32
      %dma_start3A_36 = tpu.memref_slice %arg9[%dma_start3A_34, %dma_start3A_35] : memref<640x32xi32, #tpu.memory_space<vmem>> -> memref<128x32xi32, #tpu.memory_space<vmem>>
      %dma_start3A_37 = arith.constant 256 : i32
      %dma_start3A_38 = tpu.memref_slice %arg7[%dma_start3A_37] : memref<640xi32, #tpu.memory_space<vmem>> -> memref<128xi32, #tpu.memory_space<vmem>>
      %dma_start3A_39 = arith.constant 0 : i32
      %dma_start3A_40 = arith.constant 0 : i32
      %dma_start3A_41 = tpu.memref_slice %arg2[%dma_start3A_39, %dma_start3A_40] : memref<1005056x32xi32, #tpu.memory_space<hbm>> -> memref<1005056x32xi32, #tpu.memory_space<hbm>>
      tpu.enqueue_indirect_dma source(%dma_start3A_41 : memref<1005056x32xi32, #tpu.memory_space<hbm>>) target(%dma_start3A_36 : memref<128x32xi32, #tpu.memory_space<vmem>>) offsets(%dma_start3A_38 : memref<128xi32, #tpu.memory_space<vmem>>) semaphore(%arg12 : memref<!tpu.dma_semaphore, #tpu.memory_space<semaphore_mem>>)
      %dma_start3A_42 = arith.constant 384 : i32
      %dma_start3A_43 = arith.constant 0 : i32
      %dma_start3A_44 = tpu.memref_slice %arg9[%dma_start3A_42, %dma_start3A_43] : memref<640x32xi32, #tpu.memory_space<vmem>> -> memref<128x32xi32, #tpu.memory_space<vmem>>
      %dma_start3A_45 = arith.constant 384 : i32
      %dma_start3A_46 = tpu.memref_slice %arg7[%dma_start3A_45] : memref<640xi32, #tpu.memory_space<vmem>> -> memref<128xi32, #tpu.memory_space<vmem>>
      %dma_start3A_47 = arith.constant 0 : i32
      %dma_start3A_48 = arith.constant 0 : i32
      %dma_start3A_49 = tpu.memref_slice %arg2[%dma_start3A_47, %dma_start3A_48] : memref<1005056x32xi32, #tpu.memory_space<hbm>> -> memref<1005056x32xi32, #tpu.memory_space<hbm>>
      tpu.enqueue_indirect_dma source(%dma_start3A_49 : memref<1005056x32xi32, #tpu.memory_space<hbm>>) target(%dma_start3A_44 : memref<128x32xi32, #tpu.memory_space<vmem>>) offsets(%dma_start3A_46 : memref<128xi32, #tpu.memory_space<vmem>>) semaphore(%arg12 : memref<!tpu.dma_semaphore, #tpu.memory_space<semaphore_mem>>)
      %dma_start3A_50 = arith.constant 512 : i32
      %dma_start3A_51 = arith.constant 0 : i32
      %dma_start3A_52 = tpu.memref_slice %arg9[%dma_start3A_50, %dma_start3A_51] : memref<640x32xi32, #tpu.memory_space<vmem>> -> memref<128x32xi32, #tpu.memory_space<vmem>>
      %dma_start3A_53 = arith.constant 512 : i32
      %dma_start3A_54 = tpu.memref_slice %arg7[%dma_start3A_53] : memref<640xi32, #tpu.memory_space<vmem>> -> memref<128xi32, #tpu.memory_space<vmem>>
      %dma_start3A_55 = arith.constant 0 : i32
      %dma_start3A_56 = arith.constant 0 : i32
      %dma_start3A_57 = tpu.memref_slice %arg2[%dma_start3A_55, %dma_start3A_56] : memref<1005056x32xi32, #tpu.memory_space<hbm>> -> memref<1005056x32xi32, #tpu.memory_space<hbm>>
      tpu.enqueue_indirect_dma source(%dma_start3A_57 : memref<1005056x32xi32, #tpu.memory_space<hbm>>) target(%dma_start3A_52 : memref<128x32xi32, #tpu.memory_space<vmem>>) offsets(%dma_start3A_54 : memref<128xi32, #tpu.memory_space<vmem>>) semaphore(%arg12 : memref<!tpu.dma_semaphore, #tpu.memory_space<semaphore_mem>>)
      %dma_start3A_58 = arith.constant 0 : i32
      %dma_start3A_59 = arith.constant 0 : i32
      %dma_start3A_60 = tpu.memref_slice %arg10[%dma_start3A_58, %dma_start3A_59] : memref<384x32xi32, #tpu.memory_space<vmem>> -> memref<128x32xi32, #tpu.memory_space<vmem>>
      %dma_start3A_61 = arith.constant 0 : i32
      %dma_start3A_62 = tpu.memref_slice %arg8[%dma_start3A_61] : memref<384xi32, #tpu.memory_space<vmem>> -> memref<128xi32, #tpu.memory_space<vmem>>
      %dma_start3A_63 = arith.constant 0 : i32
      %dma_start3A_64 = arith.constant 0 : i32
      %dma_start3A_65 = tpu.memref_slice %arg3[%dma_start3A_63, %dma_start3A_64] : memref<1005056x32xi32, #tpu.memory_space<hbm>> -> memref<1005056x32xi32, #tpu.memory_space<hbm>>
      tpu.enqueue_indirect_dma source(%dma_start3A_65 : memref<1005056x32xi32, #tpu.memory_space<hbm>>) target(%dma_start3A_60 : memref<128x32xi32, #tpu.memory_space<vmem>>) offsets(%dma_start3A_62 : memref<128xi32, #tpu.memory_space<vmem>>) semaphore(%arg12 : memref<!tpu.dma_semaphore, #tpu.memory_space<semaphore_mem>>)
      %dma_start3A_66 = arith.constant 128 : i32
      %dma_start3A_67 = arith.constant 0 : i32
      %dma_start3A_68 = tpu.memref_slice %arg10[%dma_start3A_66, %dma_start3A_67] : memref<384x32xi32, #tpu.memory_space<vmem>> -> memref<128x32xi32, #tpu.memory_space<vmem>>
      %dma_start3A_69 = arith.constant 128 : i32
      %dma_start3A_70 = tpu.memref_slice %arg8[%dma_start3A_69] : memref<384xi32, #tpu.memory_space<vmem>> -> memref<128xi32, #tpu.memory_space<vmem>>
      %dma_start3A_71 = arith.constant 0 : i32
      %dma_start3A_72 = arith.constant 0 : i32
      %dma_start3A_73 = tpu.memref_slice %arg3[%dma_start3A_71, %dma_start3A_72] : memref<1005056x32xi32, #tpu.memory_space<hbm>> -> memref<1005056x32xi32, #tpu.memory_space<hbm>>
      tpu.enqueue_indirect_dma source(%dma_start3A_73 : memref<1005056x32xi32, #tpu.memory_space<hbm>>) target(%dma_start3A_68 : memref<128x32xi32, #tpu.memory_space<vmem>>) offsets(%dma_start3A_70 : memref<128xi32, #tpu.memory_space<vmem>>) semaphore(%arg12 : memref<!tpu.dma_semaphore, #tpu.memory_space<semaphore_mem>>)
      %dma_start3A_74 = arith.constant 256 : i32
      %dma_start3A_75 = arith.constant 0 : i32
      %dma_start3A_76 = tpu.memref_slice %arg10[%dma_start3A_74, %dma_start3A_75] : memref<384x32xi32, #tpu.memory_space<vmem>> -> memref<128x32xi32, #tpu.memory_space<vmem>>
      %dma_start3A_77 = arith.constant 256 : i32
      %dma_start3A_78 = tpu.memref_slice %arg8[%dma_start3A_77] : memref<384xi32, #tpu.memory_space<vmem>> -> memref<128xi32, #tpu.memory_space<vmem>>
      %dma_start3A_79 = arith.constant 0 : i32
      %dma_start3A_80 = arith.constant 0 : i32
      %dma_start3A_81 = tpu.memref_slice %arg3[%dma_start3A_79, %dma_start3A_80] : memref<1005056x32xi32, #tpu.memory_space<hbm>> -> memref<1005056x32xi32, #tpu.memory_space<hbm>>
      tpu.enqueue_indirect_dma source(%dma_start3A_81 : memref<1005056x32xi32, #tpu.memory_space<hbm>>) target(%dma_start3A_76 : memref<128x32xi32, #tpu.memory_space<vmem>>) offsets(%dma_start3A_78 : memref<128xi32, #tpu.memory_space<vmem>>) semaphore(%arg12 : memref<!tpu.dma_semaphore, #tpu.memory_space<semaphore_mem>>)
      %dma_wait3A = arith.constant 0 : i32
      %dma_wait3A_82 = arith.constant 0 : i32
      %dma_wait3A_83 = tpu.memref_slice %arg9[%dma_wait3A, %dma_wait3A_82] : memref<640x32xi32, #tpu.memory_space<vmem>> -> memref<128x32xi32, #tpu.memory_space<vmem>>
      %dma_wait3A_84 = arith.constant 0 : i32
      %dma_wait3A_85 = tpu.memref_slice %arg7[%dma_wait3A_84] : memref<640xi32, #tpu.memory_space<vmem>> -> memref<128xi32, #tpu.memory_space<vmem>>
      %dma_wait3A_86 = arith.constant 0 : i32
      %dma_wait3A_87 = arith.constant 0 : i32
      %dma_wait3A_88 = tpu.memref_slice %arg2[%dma_wait3A_86, %dma_wait3A_87] : memref<1005056x32xi32, #tpu.memory_space<hbm>> -> memref<1005056x32xi32, #tpu.memory_space<hbm>>
      tpu.wait_indirect_dma semaphore(%arg12 : memref<!tpu.dma_semaphore, #tpu.memory_space<semaphore_mem>>) src(%dma_wait3A_88 : memref<1005056x32xi32, #tpu.memory_space<hbm>>) dst(%dma_wait3A_83 : memref<128x32xi32, #tpu.memory_space<vmem>>)
      %dma_wait3A_89 = arith.constant 128 : i32
      %dma_wait3A_90 = arith.constant 0 : i32
      %dma_wait3A_91 = tpu.memref_slice %arg9[%dma_wait3A_89, %dma_wait3A_90] : memref<640x32xi32, #tpu.memory_space<vmem>> -> memref<128x32xi32, #tpu.memory_space<vmem>>
      %dma_wait3A_92 = arith.constant 128 : i32
      %dma_wait3A_93 = tpu.memref_slice %arg7[%dma_wait3A_92] : memref<640xi32, #tpu.memory_space<vmem>> -> memref<128xi32, #tpu.memory_space<vmem>>
      %dma_wait3A_94 = arith.constant 0 : i32
      %dma_wait3A_95 = arith.constant 0 : i32
      %dma_wait3A_96 = tpu.memref_slice %arg2[%dma_wait3A_94, %dma_wait3A_95] : memref<1005056x32xi32, #tpu.memory_space<hbm>> -> memref<1005056x32xi32, #tpu.memory_space<hbm>>
      tpu.wait_indirect_dma semaphore(%arg12 : memref<!tpu.dma_semaphore, #tpu.memory_space<semaphore_mem>>) src(%dma_wait3A_96 : memref<1005056x32xi32, #tpu.memory_space<hbm>>) dst(%dma_wait3A_91 : memref<128x32xi32, #tpu.memory_space<vmem>>)
      %dma_wait3A_97 = arith.constant 256 : i32
      %dma_wait3A_98 = arith.constant 0 : i32
      %dma_wait3A_99 = tpu.memref_slice %arg9[%dma_wait3A_97, %dma_wait3A_98] : memref<640x32xi32, #tpu.memory_space<vmem>> -> memref<128x32xi32, #tpu.memory_space<vmem>>
      %dma_wait3A_100 = arith.constant 256 : i32
      %dma_wait3A_101 = tpu.memref_slice %arg7[%dma_wait3A_100] : memref<640xi32, #tpu.memory_space<vmem>> -> memref<128xi32, #tpu.memory_space<vmem>>
      %dma_wait3A_102 = arith.constant 0 : i32
      %dma_wait3A_103 = arith.constant 0 : i32
      %dma_wait3A_104 = tpu.memref_slice %arg2[%dma_wait3A_102, %dma_wait3A_103] : memref<1005056x32xi32, #tpu.memory_space<hbm>> -> memref<1005056x32xi32, #tpu.memory_space<hbm>>
      tpu.wait_indirect_dma semaphore(%arg12 : memref<!tpu.dma_semaphore, #tpu.memory_space<semaphore_mem>>) src(%dma_wait3A_104 : memref<1005056x32xi32, #tpu.memory_space<hbm>>) dst(%dma_wait3A_99 : memref<128x32xi32, #tpu.memory_space<vmem>>)
      %dma_wait3A_105 = arith.constant 384 : i32
      %dma_wait3A_106 = arith.constant 0 : i32
      %dma_wait3A_107 = tpu.memref_slice %arg9[%dma_wait3A_105, %dma_wait3A_106] : memref<640x32xi32, #tpu.memory_space<vmem>> -> memref<128x32xi32, #tpu.memory_space<vmem>>
      %dma_wait3A_108 = arith.constant 384 : i32
      %dma_wait3A_109 = tpu.memref_slice %arg7[%dma_wait3A_108] : memref<640xi32, #tpu.memory_space<vmem>> -> memref<128xi32, #tpu.memory_space<vmem>>
      %dma_wait3A_110 = arith.constant 0 : i32
      %dma_wait3A_111 = arith.constant 0 : i32
      %dma_wait3A_112 = tpu.memref_slice %arg2[%dma_wait3A_110, %dma_wait3A_111] : memref<1005056x32xi32, #tpu.memory_space<hbm>> -> memref<1005056x32xi32, #tpu.memory_space<hbm>>
      tpu.wait_indirect_dma semaphore(%arg12 : memref<!tpu.dma_semaphore, #tpu.memory_space<semaphore_mem>>) src(%dma_wait3A_112 : memref<1005056x32xi32, #tpu.memory_space<hbm>>) dst(%dma_wait3A_107 : memref<128x32xi32, #tpu.memory_space<vmem>>)
      %dma_wait3A_113 = arith.constant 512 : i32
      %dma_wait3A_114 = arith.constant 0 : i32
      %dma_wait3A_115 = tpu.memref_slice %arg9[%dma_wait3A_113, %dma_wait3A_114] : memref<640x32xi32, #tpu.memory_space<vmem>> -> memref<128x32xi32, #tpu.memory_space<vmem>>
      %dma_wait3A_116 = arith.constant 512 : i32
      %dma_wait3A_117 = tpu.memref_slice %arg7[%dma_wait3A_116] : memref<640xi32, #tpu.memory_space<vmem>> -> memref<128xi32, #tpu.memory_space<vmem>>
      %dma_wait3A_118 = arith.constant 0 : i32
      %dma_wait3A_119 = arith.constant 0 : i32
      %dma_wait3A_120 = tpu.memref_slice %arg2[%dma_wait3A_118, %dma_wait3A_119] : memref<1005056x32xi32, #tpu.memory_space<hbm>> -> memref<1005056x32xi32, #tpu.memory_space<hbm>>
      tpu.wait_indirect_dma semaphore(%arg12 : memref<!tpu.dma_semaphore, #tpu.memory_space<semaphore_mem>>) src(%dma_wait3A_120 : memref<1005056x32xi32, #tpu.memory_space<hbm>>) dst(%dma_wait3A_115 : memref<128x32xi32, #tpu.memory_space<vmem>>)
      %dma_wait3A_121 = arith.constant 0 : i32
      %dma_wait3A_122 = arith.constant 0 : i32
      %dma_wait3A_123 = tpu.memref_slice %arg10[%dma_wait3A_121, %dma_wait3A_122] : memref<384x32xi32, #tpu.memory_space<vmem>> -> memref<128x32xi32, #tpu.memory_space<vmem>>
      %dma_wait3A_124 = arith.constant 0 : i32
      %dma_wait3A_125 = tpu.memref_slice %arg8[%dma_wait3A_124] : memref<384xi32, #tpu.memory_space<vmem>> -> memref<128xi32, #tpu.memory_space<vmem>>
      %dma_wait3A_126 = arith.constant 0 : i32
      %dma_wait3A_127 = arith.constant 0 : i32
      %dma_wait3A_128 = tpu.memref_slice %arg3[%dma_wait3A_126, %dma_wait3A_127] : memref<1005056x32xi32, #tpu.memory_space<hbm>> -> memref<1005056x32xi32, #tpu.memory_space<hbm>>
      tpu.wait_indirect_dma semaphore(%arg12 : memref<!tpu.dma_semaphore, #tpu.memory_space<semaphore_mem>>) src(%dma_wait3A_128 : memref<1005056x32xi32, #tpu.memory_space<hbm>>) dst(%dma_wait3A_123 : memref<128x32xi32, #tpu.memory_space<vmem>>)
      %dma_wait3A_129 = arith.constant 128 : i32
      %dma_wait3A_130 = arith.constant 0 : i32
      %dma_wait3A_131 = tpu.memref_slice %arg10[%dma_wait3A_129, %dma_wait3A_130] : memref<384x32xi32, #tpu.memory_space<vmem>> -> memref<128x32xi32, #tpu.memory_space<vmem>>
      %dma_wait3A_132 = arith.constant 128 : i32
      %dma_wait3A_133 = tpu.memref_slice %arg8[%dma_wait3A_132] : memref<384xi32, #tpu.memory_space<vmem>> -> memref<128xi32, #tpu.memory_space<vmem>>
      %dma_wait3A_134 = arith.constant 0 : i32
      %dma_wait3A_135 = arith.constant 0 : i32
      %dma_wait3A_136 = tpu.memref_slice %arg3[%dma_wait3A_134, %dma_wait3A_135] : memref<1005056x32xi32, #tpu.memory_space<hbm>> -> memref<1005056x32xi32, #tpu.memory_space<hbm>>
      tpu.wait_indirect_dma semaphore(%arg12 : memref<!tpu.dma_semaphore, #tpu.memory_space<semaphore_mem>>) src(%dma_wait3A_136 : memref<1005056x32xi32, #tpu.memory_space<hbm>>) dst(%dma_wait3A_131 : memref<128x32xi32, #tpu.memory_space<vmem>>)
      %dma_wait3A_137 = arith.constant 256 : i32
      %dma_wait3A_138 = arith.constant 0 : i32
      %dma_wait3A_139 = tpu.memref_slice %arg10[%dma_wait3A_137, %dma_wait3A_138] : memref<384x32xi32, #tpu.memory_space<vmem>> -> memref<128x32xi32, #tpu.memory_space<vmem>>
      %dma_wait3A_140 = arith.constant 256 : i32
      %dma_wait3A_141 = tpu.memref_slice %arg8[%dma_wait3A_140] : memref<384xi32, #tpu.memory_space<vmem>> -> memref<128xi32, #tpu.memory_space<vmem>>
      %dma_wait3A_142 = arith.constant 0 : i32
      %dma_wait3A_143 = arith.constant 0 : i32
      %dma_wait3A_144 = tpu.memref_slice %arg3[%dma_wait3A_142, %dma_wait3A_143] : memref<1005056x32xi32, #tpu.memory_space<hbm>> -> memref<1005056x32xi32, #tpu.memory_space<hbm>>
      tpu.wait_indirect_dma semaphore(%arg12 : memref<!tpu.dma_semaphore, #tpu.memory_space<semaphore_mem>>) src(%dma_wait3A_144 : memref<1005056x32xi32, #tpu.memory_space<hbm>>) dst(%dma_wait3A_139 : memref<128x32xi32, #tpu.memory_space<vmem>>)
      %scan3A_145 = arith.constant 0 : i32
      %scan3A_146 = arith.constant 64 : i32
      %scan3A_147 = arith.addi %scan3A_145, %scan3A_146 : i32
      %scan3A_148 = arith.constant 1 : i32
      scf.for %scan3A_152 = %scan3A_145 to %scan3A_147 step %scan3A_148  : i32 {
        %mul3A_153 = arith.constant 1 : i32
        %mul3A_154 = arith.muli %scan3A_152, %mul3A_153 : i32
        %add3A_155 = arith.constant 0 : i32
        %add3A_156 = arith.addi %add3A_155, %mul3A_154 : i32
        %mul3A_157 = arith.constant 10 : i32
        %mul3A_158 = arith.muli %add3A_156, %mul3A_157 : i32
        %add3A_159 = arith.constant 0 : i32
        %add3A_160 = arith.addi %mul3A_158, %add3A_159 : i32
        %get3A = arith.index_cast %add3A_160 : i32 to index
        %get3A_161 = arith.constant 0 : index
        %get3A_162 = tpu.vector_load %arg9[%get3A, %get3A_161] {strides = array<i32>} : memref<640x32xi32, #tpu.memory_space<vmem>>, vector<16xi32>,
        %bitcast3A = vector.bitcast %get3A_162 : vector<16xi32> to vector<32xbf16>
        %mul3A_163 = arith.constant 10 : i32
        %mul3A_164 = arith.muli %add3A_156, %mul3A_163 : i32
        %add3A_165 = arith.constant 0 : i32
        %add3A_166 = arith.addi %mul3A_164, %add3A_165 : i32
        %get3A_167 = arith.index_cast %add3A_166 : i32 to index
        %get3A_168 = arith.constant 16 : index
        %get3A_169 = tpu.vector_load %arg9[%get3A_167, %get3A_168] {strides = array<i32>} : memref<640x32xi32, #tpu.memory_space<vmem>>, vector<16xi32>,
        %bitcast3A_170 = vector.bitcast %get3A_169 : vector<16xi32> to vector<32xbf16>
        %mul3A_171 = arith.constant 10 : i32
        %mul3A_172 = arith.muli %add3A_156, %mul3A_171 : i32
        %add3A_173 = arith.constant 1 : i32
        %add3A_174 = arith.addi %mul3A_172, %add3A_173 : i32
        %get3A_175 = arith.index_cast %add3A_174 : i32 to index
        %get3A_176 = arith.constant 0 : index
        %get3A_177 = tpu.vector_load %arg9[%get3A_175, %get3A_176] {strides = array<i32>} : memref<640x32xi32, #tpu.memory_space<vmem>>, vector<16xi32>,
        %bitcast3A_178 = vector.bitcast %get3A_177 : vector<16xi32> to vector<32xbf16>
        %add3A_179 = arith.addf %bitcast3A, %bitcast3A_178 : vector<32xbf16>
        %mul3A_180 = arith.constant 10 : i32
        %mul3A_181 = arith.muli %add3A_156, %mul3A_180 : i32
        %add3A_182 = arith.constant 1 : i32
        %add3A_183 = arith.addi %mul3A_181, %add3A_182 : i32
        %get3A_184 = arith.index_cast %add3A_183 : i32 to index
        %get3A_185 = arith.constant 16 : index
        %get3A_186 = tpu.vector_load %arg9[%get3A_184, %get3A_185] {strides = array<i32>} : memref<640x32xi32, #tpu.memory_space<vmem>>, vector<16xi32>,
        %bitcast3A_187 = vector.bitcast %get3A_186 : vector<16xi32> to vector<32xbf16>
        %add3A_188 = arith.addf %bitcast3A_170, %bitcast3A_187 : vector<32xbf16>
        %mul3A_189 = arith.constant 10 : i32
        %mul3A_190 = arith.muli %add3A_156, %mul3A_189 : i32
        %add3A_191 = arith.constant 2 : i32
        %add3A_192 = arith.addi %mul3A_190, %add3A_191 : i32
        %get3A_193 = arith.index_cast %add3A_192 : i32 to index
        %get3A_194 = arith.constant 0 : index
        %get3A_195 = tpu.vector_load %arg9[%get3A_193, %get3A_194] {strides = array<i32>} : memref<640x32xi32, #tpu.memory_space<vmem>>, vector<16xi32>,
        %bitcast3A_196 = vector.bitcast %get3A_195 : vector<16xi32> to vector<32xbf16>
        %add3A_197 = arith.addf %add3A_179, %bitcast3A_196 : vector<32xbf16>
        %mul3A_198 = arith.constant 10 : i32
        %mul3A_199 = arith.muli %add3A_156, %mul3A_198 : i32
        %add3A_200 = arith.constant 2 : i32
        %add3A_201 = arith.addi %mul3A_199, %add3A_200 : i32
        %get3A_202 = arith.index_cast %add3A_201 : i32 to index
        %get3A_203 = arith.constant 16 : index
        %get3A_204 = tpu.vector_load %arg9[%get3A_202, %get3A_203] {strides = array<i32>} : memref<640x32xi32, #tpu.memory_space<vmem>>, vector<16xi32>,
        %bitcast3A_205 = vector.bitcast %get3A_204 : vector<16xi32> to vector<32xbf16>
        %add3A_206 = arith.addf %add3A_188, %bitcast3A_205 : vector<32xbf16>
        %mul3A_207 = arith.constant 10 : i32
        %mul3A_208 = arith.muli %add3A_156, %mul3A_207 : i32
        %add3A_209 = arith.constant 3 : i32
        %add3A_210 = arith.addi %mul3A_208, %add3A_209 : i32
        %get3A_211 = arith.index_cast %add3A_210 : i32 to index
        %get3A_212 = arith.constant 0 : index
        %get3A_213 = tpu.vector_load %arg9[%get3A_211, %get3A_212] {strides = array<i32>} : memref<640x32xi32, #tpu.memory_space<vmem>>, vector<16xi32>,
        %bitcast3A_214 = vector.bitcast %get3A_213 : vector<16xi32> to vector<32xbf16>
        %add3A_215 = arith.addf %add3A_197, %bitcast3A_214 : vector<32xbf16>
        %mul3A_216 = arith.constant 10 : i32
        %mul3A_217 = arith.muli %add3A_156, %mul3A_216 : i32
        %add3A_218 = arith.constant 3 : i32
        %add3A_219 = arith.addi %mul3A_217, %add3A_218 : i32
        %get3A_220 = arith.index_cast %add3A_219 : i32 to index
        %get3A_221 = arith.constant 16 : index
        %get3A_222 = tpu.vector_load %arg9[%get3A_220, %get3A_221] {strides = array<i32>} : memref<640x32xi32, #tpu.memory_space<vmem>>, vector<16xi32>,
        %bitcast3A_223 = vector.bitcast %get3A_222 : vector<16xi32> to vector<32xbf16>
        %add3A_224 = arith.addf %add3A_206, %bitcast3A_223 : vector<32xbf16>
        %mul3A_225 = arith.constant 10 : i32
        %mul3A_226 = arith.muli %add3A_156, %mul3A_225 : i32
        %add3A_227 = arith.constant 4 : i32
        %add3A_228 = arith.addi %mul3A_226, %add3A_227 : i32
        %get3A_229 = arith.index_cast %add3A_228 : i32 to index
        %get3A_230 = arith.constant 0 : index
        %get3A_231 = tpu.vector_load %arg9[%get3A_229, %get3A_230] {strides = array<i32>} : memref<640x32xi32, #tpu.memory_space<vmem>>, vector<16xi32>,
        %bitcast3A_232 = vector.bitcast %get3A_231 : vector<16xi32> to vector<32xbf16>
        %add3A_233 = arith.addf %add3A_215, %bitcast3A_232 : vector<32xbf16>
        %mul3A_234 = arith.constant 10 : i32
        %mul3A_235 = arith.muli %add3A_156, %mul3A_234 : i32
        %add3A_236 = arith.constant 4 : i32
        %add3A_237 = arith.addi %mul3A_235, %add3A_236 : i32
        %get3A_238 = arith.index_cast %add3A_237 : i32 to index
        %get3A_239 = arith.constant 16 : index
        %get3A_240 = tpu.vector_load %arg9[%get3A_238, %get3A_239] {strides = array<i32>} : memref<640x32xi32, #tpu.memory_space<vmem>>, vector<16xi32>,
        %bitcast3A_241 = vector.bitcast %get3A_240 : vector<16xi32> to vector<32xbf16>
        %add3A_242 = arith.addf %add3A_224, %bitcast3A_241 : vector<32xbf16>
        %mul3A_243 = arith.constant 10 : i32
        %mul3A_244 = arith.muli %add3A_156, %mul3A_243 : i32
        %add3A_245 = arith.constant 5 : i32
        %add3A_246 = arith.addi %mul3A_244, %add3A_245 : i32
        %get3A_247 = arith.index_cast %add3A_246 : i32 to index
        %get3A_248 = arith.constant 0 : index
        %get3A_249 = tpu.vector_load %arg9[%get3A_247, %get3A_248] {strides = array<i32>} : memref<640x32xi32, #tpu.memory_space<vmem>>, vector<16xi32>,
        %bitcast3A_250 = vector.bitcast %get3A_249 : vector<16xi32> to vector<32xbf16>
        %add3A_251 = arith.addf %add3A_233, %bitcast3A_250 : vector<32xbf16>
        %mul3A_252 = arith.constant 10 : i32
        %mul3A_253 = arith.muli %add3A_156, %mul3A_252 : i32
        %add3A_254 = arith.constant 5 : i32
        %add3A_255 = arith.addi %mul3A_253, %add3A_254 : i32
        %get3A_256 = arith.index_cast %add3A_255 : i32 to index
        %get3A_257 = arith.constant 16 : index
        %get3A_258 = tpu.vector_load %arg9[%get3A_256, %get3A_257] {strides = array<i32>} : memref<640x32xi32, #tpu.memory_space<vmem>>, vector<16xi32>,
        %bitcast3A_259 = vector.bitcast %get3A_258 : vector<16xi32> to vector<32xbf16>
        %add3A_260 = arith.addf %add3A_242, %bitcast3A_259 : vector<32xbf16>
        %mul3A_261 = arith.constant 10 : i32
        %mul3A_262 = arith.muli %add3A_156, %mul3A_261 : i32
        %add3A_263 = arith.constant 6 : i32
        %add3A_264 = arith.addi %mul3A_262, %add3A_263 : i32
        %get3A_265 = arith.index_cast %add3A_264 : i32 to index
        %get3A_266 = arith.constant 0 : index
        %get3A_267 = tpu.vector_load %arg9[%get3A_265, %get3A_266] {strides = array<i32>} : memref<640x32xi32, #tpu.memory_space<vmem>>, vector<16xi32>,
        %bitcast3A_268 = vector.bitcast %get3A_267 : vector<16xi32> to vector<32xbf16>
        %add3A_269 = arith.addf %add3A_251, %bitcast3A_268 : vector<32xbf16>
        %mul3A_270 = arith.constant 10 : i32
        %mul3A_271 = arith.muli %add3A_156, %mul3A_270 : i32
        %add3A_272 = arith.constant 6 : i32
        %add3A_273 = arith.addi %mul3A_271, %add3A_272 : i32
        %get3A_274 = arith.index_cast %add3A_273 : i32 to index
        %get3A_275 = arith.constant 16 : index
        %get3A_276 = tpu.vector_load %arg9[%get3A_274, %get3A_275] {strides = array<i32>} : memref<640x32xi32, #tpu.memory_space<vmem>>, vector<16xi32>,
        %bitcast3A_277 = vector.bitcast %get3A_276 : vector<16xi32> to vector<32xbf16>
        %add3A_278 = arith.addf %add3A_260, %bitcast3A_277 : vector<32xbf16>
        %mul3A_279 = arith.constant 10 : i32
        %mul3A_280 = arith.muli %add3A_156, %mul3A_279 : i32
        %add3A_281 = arith.constant 7 : i32
        %add3A_282 = arith.addi %mul3A_280, %add3A_281 : i32
        %get3A_283 = arith.index_cast %add3A_282 : i32 to index
        %get3A_284 = arith.constant 0 : index
        %get3A_285 = tpu.vector_load %arg9[%get3A_283, %get3A_284] {strides = array<i32>} : memref<640x32xi32, #tpu.memory_space<vmem>>, vector<16xi32>,
        %bitcast3A_286 = vector.bitcast %get3A_285 : vector<16xi32> to vector<32xbf16>
        %add3A_287 = arith.addf %add3A_269, %bitcast3A_286 : vector<32xbf16>
        %mul3A_288 = arith.constant 10 : i32
        %mul3A_289 = arith.muli %add3A_156, %mul3A_288 : i32
        %add3A_290 = arith.constant 7 : i32
        %add3A_291 = arith.addi %mul3A_289, %add3A_290 : i32
        %get3A_292 = arith.index_cast %add3A_291 : i32 to index
        %get3A_293 = arith.constant 16 : index
        %get3A_294 = tpu.vector_load %arg9[%get3A_292, %get3A_293] {strides = array<i32>} : memref<640x32xi32, #tpu.memory_space<vmem>>, vector<16xi32>,
        %bitcast3A_295 = vector.bitcast %get3A_294 : vector<16xi32> to vector<32xbf16>
        %add3A_296 = arith.addf %add3A_278, %bitcast3A_295 : vector<32xbf16>
        %mul3A_297 = arith.constant 10 : i32
        %mul3A_298 = arith.muli %add3A_156, %mul3A_297 : i32
        %add3A_299 = arith.constant 8 : i32
        %add3A_300 = arith.addi %mul3A_298, %add3A_299 : i32
        %get3A_301 = arith.index_cast %add3A_300 : i32 to index
        %get3A_302 = arith.constant 0 : index
        %get3A_303 = tpu.vector_load %arg9[%get3A_301, %get3A_302] {strides = array<i32>} : memref<640x32xi32, #tpu.memory_space<vmem>>, vector<16xi32>,
        %bitcast3A_304 = vector.bitcast %get3A_303 : vector<16xi32> to vector<32xbf16>
        %add3A_305 = arith.addf %add3A_287, %bitcast3A_304 : vector<32xbf16>
        %mul3A_306 = arith.constant 10 : i32
        %mul3A_307 = arith.muli %add3A_156, %mul3A_306 : i32
        %add3A_308 = arith.constant 8 : i32
        %add3A_309 = arith.addi %mul3A_307, %add3A_308 : i32
        %get3A_310 = arith.index_cast %add3A_309 : i32 to index
        %get3A_311 = arith.constant 16 : index
        %get3A_312 = tpu.vector_load %arg9[%get3A_310, %get3A_311] {strides = array<i32>} : memref<640x32xi32, #tpu.memory_space<vmem>>, vector<16xi32>,
        %bitcast3A_313 = vector.bitcast %get3A_312 : vector<16xi32> to vector<32xbf16>
        %add3A_314 = arith.addf %add3A_296, %bitcast3A_313 : vector<32xbf16>
        %mul3A_315 = arith.constant 10 : i32
        %mul3A_316 = arith.muli %add3A_156, %mul3A_315 : i32
        %add3A_317 = arith.constant 9 : i32
        %add3A_318 = arith.addi %mul3A_316, %add3A_317 : i32
        %get3A_319 = arith.index_cast %add3A_318 : i32 to index
        %get3A_320 = arith.constant 0 : index
        %get3A_321 = tpu.vector_load %arg9[%get3A_319, %get3A_320] {strides = array<i32>} : memref<640x32xi32, #tpu.memory_space<vmem>>, vector<16xi32>,
        %bitcast3A_322 = vector.bitcast %get3A_321 : vector<16xi32> to vector<32xbf16>
        %add3A_323 = arith.addf %add3A_305, %bitcast3A_322 : vector<32xbf16>
        %mul3A_324 = arith.constant 10 : i32
        %mul3A_325 = arith.muli %add3A_156, %mul3A_324 : i32
        %add3A_326 = arith.constant 9 : i32
        %add3A_327 = arith.addi %mul3A_325, %add3A_326 : i32
        %get3A_328 = arith.index_cast %add3A_327 : i32 to index
        %get3A_329 = arith.constant 16 : index
        %get3A_330 = tpu.vector_load %arg9[%get3A_328, %get3A_329] {strides = array<i32>} : memref<640x32xi32, #tpu.memory_space<vmem>>, vector<16xi32>,
        %bitcast3A_331 = vector.bitcast %get3A_330 : vector<16xi32> to vector<32xbf16>
        %add3A_332 = arith.addf %add3A_314, %bitcast3A_331 : vector<32xbf16>
        %mul3A_333 = arith.constant 1.000980e-01 : bf16
        %mul3A_334 = vector.broadcast %mul3A_333 : bf16 to vector<32xbf16>
        %mul3A_335 = arith.mulf %add3A_323, %mul3A_334 : vector<32xbf16>
        %mul3A_336 = arith.constant 1.000980e-01 : bf16
        %mul3A_337 = vector.broadcast %mul3A_336 : bf16 to vector<32xbf16>
        %mul3A_338 = arith.mulf %add3A_332, %mul3A_337 : vector<32xbf16>
        %mul3A_339 = arith.constant 6 : i32
        %mul3A_340 = arith.muli %add3A_156, %mul3A_339 : i32
        %add3A_341 = arith.constant 0 : i32
        %add3A_342 = arith.addi %mul3A_340, %add3A_341 : i32
        %get3A_343 = arith.index_cast %add3A_342 : i32 to index
        %get3A_344 = arith.constant 0 : index
        %get3A_345 = tpu.vector_load %arg10[%get3A_343, %get3A_344] {strides = array<i32>} : memref<384x32xi32, #tpu.memory_space<vmem>>, vector<16xi32>,
        %bitcast3A_346 = vector.bitcast %get3A_345 : vector<16xi32> to vector<32xbf16>
        %mul3A_347 = arith.mulf %mul3A_335, %bitcast3A_346 : vector<32xbf16>
        %mul3A_348 = arith.constant 6 : i32
        %mul3A_349 = arith.muli %add3A_156, %mul3A_348 : i32
        %add3A_350 = arith.constant 0 : i32
        %add3A_351 = arith.addi %mul3A_349, %add3A_350 : i32
        %get3A_352 = arith.index_cast %add3A_351 : i32 to index
        %get3A_353 = arith.constant 16 : index
        %get3A_354 = tpu.vector_load %arg10[%get3A_352, %get3A_353] {strides = array<i32>} : memref<384x32xi32, #tpu.memory_space<vmem>>, vector<16xi32>,
        %bitcast3A_355 = vector.bitcast %get3A_354 : vector<16xi32> to vector<32xbf16>
        %mul3A_356 = arith.mulf %mul3A_338, %bitcast3A_355 : vector<32xbf16>
        %add3A_357 = arith.addf %mul3A_347, %mul3A_356 : vector<32xbf16>
        %bitcast3A_358 = vector.bitcast %add3A_357 : vector<32xbf16> to vector<16xi32>
        %and3A = arith.constant -65536 : i32
        %and3A_359 = vector.broadcast %and3A : i32 to vector<16xi32>
        %and3A_360 = arith.andi %bitcast3A_358, %and3A_359 : vector<16xi32>
        %bitcast3A_361 = vector.bitcast %and3A_360 : vector<16xi32> to vector<16xf32>
        %shift_left3A = arith.constant 16 : i32
        %shift_left3A_362 = vector.broadcast %shift_left3A : i32 to vector<16xi32>
        %shift_left3A_363 = arith.shli %bitcast3A_358, %shift_left3A_362 : vector<16xi32>
        %bitcast3A_364 = vector.bitcast %shift_left3A_363 : vector<16xi32> to vector<16xf32>
        %add3A_365 = arith.addf %bitcast3A_361, %bitcast3A_364 : vector<16xf32>
        %mul3A_366 = arith.constant 6 : i32
        %mul3A_367 = arith.muli %add3A_156, %mul3A_366 : i32
        %add3A_368 = arith.constant 0 : i32
        %add3A_369 = arith.addi %mul3A_367, %add3A_368 : i32
        %swap3A = arith.index_cast %add3A_369 : i32 to index
        %swap3A_370 = arith.constant 0 : index
        %swap3A_371 = tpu.vector_load %arg11[%swap3A, %swap3A_370] {strides = array<i32>} : memref<384x16xf32, #tpu.memory_space<vmem>>, vector<16xf32>,
        tpu.vector_store %arg11[%swap3A, %swap3A_370], %add3A_365 {strides = array<i32>} : memref<384x16xf32, #tpu.memory_space<vmem>>, vector<16xf32>,
        %mul3A_372 = arith.constant 6 : i32
        %mul3A_373 = arith.muli %add3A_156, %mul3A_372 : i32
        %add3A_374 = arith.constant 1 : i32
        %add3A_375 = arith.addi %mul3A_373, %add3A_374 : i32
        %get3A_376 = arith.index_cast %add3A_375 : i32 to index
        %get3A_377 = arith.constant 0 : index
        %get3A_378 = tpu.vector_load %arg10[%get3A_376, %get3A_377] {strides = array<i32>} : memref<384x32xi32, #tpu.memory_space<vmem>>, vector<16xi32>,
        %bitcast3A_379 = vector.bitcast %get3A_378 : vector<16xi32> to vector<32xbf16>
        %mul3A_380 = arith.mulf %mul3A_335, %bitcast3A_379 : vector<32xbf16>
        %mul3A_381 = arith.constant 6 : i32
        %mul3A_382 = arith.muli %add3A_156, %mul3A_381 : i32
        %add3A_383 = arith.constant 1 : i32
        %add3A_384 = arith.addi %mul3A_382, %add3A_383 : i32
        %get3A_385 = arith.index_cast %add3A_384 : i32 to index
        %get3A_386 = arith.constant 16 : index
        %get3A_387 = tpu.vector_load %arg10[%get3A_385, %get3A_386] {strides = array<i32>} : memref<384x32xi32, #tpu.memory_space<vmem>>, vector<16xi32>,
        %bitcast3A_388 = vector.bitcast %get3A_387 : vector<16xi32> to vector<32xbf16>
        %mul3A_389 = arith.mulf %mul3A_338, %bitcast3A_388 : vector<32xbf16>
        %add3A_390 = arith.addf %mul3A_380, %mul3A_389 : vector<32xbf16>
        %bitcast3A_391 = vector.bitcast %add3A_390 : vector<32xbf16> to vector<16xi32>
        %and3A_392 = arith.constant -65536 : i32
        %and3A_393 = vector.broadcast %and3A_392 : i32 to vector<16xi32>
        %and3A_394 = arith.andi %bitcast3A_391, %and3A_393 : vector<16xi32>
        %bitcast3A_395 = vector.bitcast %and3A_394 : vector<16xi32> to vector<16xf32>
        %shift_left3A_396 = arith.constant 16 : i32
        %shift_left3A_397 = vector.broadcast %shift_left3A_396 : i32 to vector<16xi32>
        %shift_left3A_398 = arith.shli %bitcast3A_391, %shift_left3A_397 : vector<16xi32>
        %bitcast3A_399 = vector.bitcast %shift_left3A_398 : vector<16xi32> to vector<16xf32>
        %add3A_400 = arith.addf %bitcast3A_395, %bitcast3A_399 : vector<16xf32>
        %neg3A = arith.constant 0.000000e+00 : f32
        %neg3A_401 = vector.broadcast %neg3A : f32 to vector<16xf32>
        %neg3A_402 = arith.subf %neg3A_401, %add3A_400 : vector<16xf32>
        %mul3A_403 = arith.constant 6 : i32
        %mul3A_404 = arith.muli %add3A_156, %mul3A_403 : i32
        %add3A_405 = arith.constant 1 : i32
        %add3A_406 = arith.addi %mul3A_404, %add3A_405 : i32
        %swap3A_407 = arith.index_cast %add3A_406 : i32 to index
        %swap3A_408 = arith.constant 0 : index
        %swap3A_409 = tpu.vector_load %arg11[%swap3A_407, %swap3A_408] {strides = array<i32>} : memref<384x16xf32, #tpu.memory_space<vmem>>, vector<16xf32>,
        tpu.vector_store %arg11[%swap3A_407, %swap3A_408], %neg3A_402 {strides = array<i32>} : memref<384x16xf32, #tpu.memory_space<vmem>>, vector<16xf32>,
        %mul3A_410 = arith.constant 6 : i32
        %mul3A_411 = arith.muli %add3A_156, %mul3A_410 : i32
        %add3A_412 = arith.constant 2 : i32
        %add3A_413 = arith.addi %mul3A_411, %add3A_412 : i32
        %get3A_414 = arith.index_cast %add3A_413 : i32 to index
        %get3A_415 = arith.constant 0 : index
        %get3A_416 = tpu.vector_load %arg10[%get3A_414, %get3A_415] {strides = array<i32>} : memref<384x32xi32, #tpu.memory_space<vmem>>, vector<16xi32>,
        %bitcast3A_417 = vector.bitcast %get3A_416 : vector<16xi32> to vector<32xbf16>
        %mul3A_418 = arith.mulf %mul3A_335, %bitcast3A_417 : vector<32xbf16>
        %mul3A_419 = arith.constant 6 : i32
        %mul3A_420 = arith.muli %add3A_156, %mul3A_419 : i32
        %add3A_421 = arith.constant 2 : i32
        %add3A_422 = arith.addi %mul3A_420, %add3A_421 : i32
        %get3A_423 = arith.index_cast %add3A_422 : i32 to index
        %get3A_424 = arith.constant 16 : index
        %get3A_425 = tpu.vector_load %arg10[%get3A_423, %get3A_424] {strides = array<i32>} : memref<384x32xi32, #tpu.memory_space<vmem>>, vector<16xi32>,
        %bitcast3A_426 = vector.bitcast %get3A_425 : vector<16xi32> to vector<32xbf16>
        %mul3A_427 = arith.mulf %mul3A_338, %bitcast3A_426 : vector<32xbf16>
        %add3A_428 = arith.addf %mul3A_418, %mul3A_427 : vector<32xbf16>
        %bitcast3A_429 = vector.bitcast %add3A_428 : vector<32xbf16> to vector<16xi32>
        %and3A_430 = arith.constant -65536 : i32
        %and3A_431 = vector.broadcast %and3A_430 : i32 to vector<16xi32>
        %and3A_432 = arith.andi %bitcast3A_429, %and3A_431 : vector<16xi32>
        %bitcast3A_433 = vector.bitcast %and3A_432 : vector<16xi32> to vector<16xf32>
        %shift_left3A_434 = arith.constant 16 : i32
        %shift_left3A_435 = vector.broadcast %shift_left3A_434 : i32 to vector<16xi32>
        %shift_left3A_436 = arith.shli %bitcast3A_429, %shift_left3A_435 : vector<16xi32>
        %bitcast3A_437 = vector.bitcast %shift_left3A_436 : vector<16xi32> to vector<16xf32>
        %add3A_438 = arith.addf %bitcast3A_433, %bitcast3A_437 : vector<16xf32>
        %neg3A_439 = arith.constant 0.000000e+00 : f32
        %neg3A_440 = vector.broadcast %neg3A_439 : f32 to vector<16xf32>
        %neg3A_441 = arith.subf %neg3A_440, %add3A_438 : vector<16xf32>
        %mul3A_442 = arith.constant 6 : i32
        %mul3A_443 = arith.muli %add3A_156, %mul3A_442 : i32
        %add3A_444 = arith.constant 2 : i32
        %add3A_445 = arith.addi %mul3A_443, %add3A_444 : i32
        %swap3A_446 = arith.index_cast %add3A_445 : i32 to index
        %swap3A_447 = arith.constant 0 : index
        %swap3A_448 = tpu.vector_load %arg11[%swap3A_446, %swap3A_447] {strides = array<i32>} : memref<384x16xf32, #tpu.memory_space<vmem>>, vector<16xf32>,
        tpu.vector_store %arg11[%swap3A_446, %swap3A_447], %neg3A_441 {strides = array<i32>} : memref<384x16xf32, #tpu.memory_space<vmem>>, vector<16xf32>,
        %mul3A_449 = arith.constant 6 : i32
        %mul3A_450 = arith.muli %add3A_156, %mul3A_449 : i32
        %add3A_451 = arith.constant 3 : i32
        %add3A_452 = arith.addi %mul3A_450, %add3A_451 : i32
        %get3A_453 = arith.index_cast %add3A_452 : i32 to index
        %get3A_454 = arith.constant 0 : index
        %get3A_455 = tpu.vector_load %arg10[%get3A_453, %get3A_454] {strides = array<i32>} : memref<384x32xi32, #tpu.memory_space<vmem>>, vector<16xi32>,
        %bitcast3A_456 = vector.bitcast %get3A_455 : vector<16xi32> to vector<32xbf16>
        %mul3A_457 = arith.mulf %mul3A_335, %bitcast3A_456 : vector<32xbf16>
        %mul3A_458 = arith.constant 6 : i32
        %mul3A_459 = arith.muli %add3A_156, %mul3A_458 : i32
        %add3A_460 = arith.constant 3 : i32
        %add3A_461 = arith.addi %mul3A_459, %add3A_460 : i32
        %get3A_462 = arith.index_cast %add3A_461 : i32 to index
        %get3A_463 = arith.constant 16 : index
        %get3A_464 = tpu.vector_load %arg10[%get3A_462, %get3A_463] {strides = array<i32>} : memref<384x32xi32, #tpu.memory_space<vmem>>, vector<16xi32>,
        %bitcast3A_465 = vector.bitcast %get3A_464 : vector<16xi32> to vector<32xbf16>
        %mul3A_466 = arith.mulf %mul3A_338, %bitcast3A_465 : vector<32xbf16>
        %add3A_467 = arith.addf %mul3A_457, %mul3A_466 : vector<32xbf16>
        %bitcast3A_468 = vector.bitcast %add3A_467 : vector<32xbf16> to vector<16xi32>
        %and3A_469 = arith.constant -65536 : i32
        %and3A_470 = vector.broadcast %and3A_469 : i32 to vector<16xi32>
        %and3A_471 = arith.andi %bitcast3A_468, %and3A_470 : vector<16xi32>
        %bitcast3A_472 = vector.bitcast %and3A_471 : vector<16xi32> to vector<16xf32>
        %shift_left3A_473 = arith.constant 16 : i32
        %shift_left3A_474 = vector.broadcast %shift_left3A_473 : i32 to vector<16xi32>
        %shift_left3A_475 = arith.shli %bitcast3A_468, %shift_left3A_474 : vector<16xi32>
        %bitcast3A_476 = vector.bitcast %shift_left3A_475 : vector<16xi32> to vector<16xf32>
        %add3A_477 = arith.addf %bitcast3A_472, %bitcast3A_476 : vector<16xf32>
        %neg3A_478 = arith.constant 0.000000e+00 : f32
        %neg3A_479 = vector.broadcast %neg3A_478 : f32 to vector<16xf32>
        %neg3A_480 = arith.subf %neg3A_479, %add3A_477 : vector<16xf32>
        %mul3A_481 = arith.constant 6 : i32
        %mul3A_482 = arith.muli %add3A_156, %mul3A_481 : i32
        %add3A_483 = arith.constant 3 : i32
        %add3A_484 = arith.addi %mul3A_482, %add3A_483 : i32
        %swap3A_485 = arith.index_cast %add3A_484 : i32 to index
        %swap3A_486 = arith.constant 0 : index
        %swap3A_487 = tpu.vector_load %arg11[%swap3A_485, %swap3A_486] {strides = array<i32>} : memref<384x16xf32, #tpu.memory_space<vmem>>, vector<16xf32>,
        tpu.vector_store %arg11[%swap3A_485, %swap3A_486], %neg3A_480 {strides = array<i32>} : memref<384x16xf32, #tpu.memory_space<vmem>>, vector<16xf32>,
        %mul3A_488 = arith.constant 6 : i32
        %mul3A_489 = arith.muli %add3A_156, %mul3A_488 : i32
        %add3A_490 = arith.constant 4 : i32
        %add3A_491 = arith.addi %mul3A_489, %add3A_490 : i32
        %get3A_492 = arith.index_cast %add3A_491 : i32 to index
        %get3A_493 = arith.constant 0 : index
        %get3A_494 = tpu.vector_load %arg10[%get3A_492, %get3A_493] {strides = array<i32>} : memref<384x32xi32, #tpu.memory_space<vmem>>, vector<16xi32>,
        %bitcast3A_495 = vector.bitcast %get3A_494 : vector<16xi32> to vector<32xbf16>
        %mul3A_496 = arith.mulf %mul3A_335, %bitcast3A_495 : vector<32xbf16>
        %mul3A_497 = arith.constant 6 : i32
        %mul3A_498 = arith.muli %add3A_156, %mul3A_497 : i32
        %add3A_499 = arith.constant 4 : i32
        %add3A_500 = arith.addi %mul3A_498, %add3A_499 : i32
        %get3A_501 = arith.index_cast %add3A_500 : i32 to index
        %get3A_502 = arith.constant 16 : index
        %get3A_503 = tpu.vector_load %arg10[%get3A_501, %get3A_502] {strides = array<i32>} : memref<384x32xi32, #tpu.memory_space<vmem>>, vector<16xi32>,
        %bitcast3A_504 = vector.bitcast %get3A_503 : vector<16xi32> to vector<32xbf16>
        %mul3A_505 = arith.mulf %mul3A_338, %bitcast3A_504 : vector<32xbf16>
        %add3A_506 = arith.addf %mul3A_496, %mul3A_505 : vector<32xbf16>
        %bitcast3A_507 = vector.bitcast %add3A_506 : vector<32xbf16> to vector<16xi32>
        %and3A_508 = arith.constant -65536 : i32
        %and3A_509 = vector.broadcast %and3A_508 : i32 to vector<16xi32>
        %and3A_510 = arith.andi %bitcast3A_507, %and3A_509 : vector<16xi32>
        %bitcast3A_511 = vector.bitcast %and3A_510 : vector<16xi32> to vector<16xf32>
        %shift_left3A_512 = arith.constant 16 : i32
        %shift_left3A_513 = vector.broadcast %shift_left3A_512 : i32 to vector<16xi32>
        %shift_left3A_514 = arith.shli %bitcast3A_507, %shift_left3A_513 : vector<16xi32>
        %bitcast3A_515 = vector.bitcast %shift_left3A_514 : vector<16xi32> to vector<16xf32>
        %add3A_516 = arith.addf %bitcast3A_511, %bitcast3A_515 : vector<16xf32>
        %neg3A_517 = arith.constant 0.000000e+00 : f32
        %neg3A_518 = vector.broadcast %neg3A_517 : f32 to vector<16xf32>
        %neg3A_519 = arith.subf %neg3A_518, %add3A_516 : vector<16xf32>
        %mul3A_520 = arith.constant 6 : i32
        %mul3A_521 = arith.muli %add3A_156, %mul3A_520 : i32
        %add3A_522 = arith.constant 4 : i32
        %add3A_523 = arith.addi %mul3A_521, %add3A_522 : i32
        %swap3A_524 = arith.index_cast %add3A_523 : i32 to index
        %swap3A_525 = arith.constant 0 : index
        %swap3A_526 = tpu.vector_load %arg11[%swap3A_524, %swap3A_525] {strides = array<i32>} : memref<384x16xf32, #tpu.memory_space<vmem>>, vector<16xf32>,
        tpu.vector_store %arg11[%swap3A_524, %swap3A_525], %neg3A_519 {strides = array<i32>} : memref<384x16xf32, #tpu.memory_space<vmem>>, vector<16xf32>,
        %mul3A_527 = arith.constant 6 : i32
        %mul3A_528 = arith.muli %add3A_156, %mul3A_527 : i32
        %add3A_529 = arith.constant 5 : i32
        %add3A_530 = arith.addi %mul3A_528, %add3A_529 : i32
        %get3A_531 = arith.index_cast %add3A_530 : i32 to index
        %get3A_532 = arith.constant 0 : index
        %get3A_533 = tpu.vector_load %arg10[%get3A_531, %get3A_532] {strides = array<i32>} : memref<384x32xi32, #tpu.memory_space<vmem>>, vector<16xi32>,
        %bitcast3A_534 = vector.bitcast %get3A_533 : vector<16xi32> to vector<32xbf16>
        %mul3A_535 = arith.mulf %mul3A_335, %bitcast3A_534 : vector<32xbf16>
        %mul3A_536 = arith.constant 6 : i32
        %mul3A_537 = arith.muli %add3A_156, %mul3A_536 : i32
        %add3A_538 = arith.constant 5 : i32
        %add3A_539 = arith.addi %mul3A_537, %add3A_538 : i32
        %get3A_540 = arith.index_cast %add3A_539 : i32 to index
        %get3A_541 = arith.constant 16 : index
        %get3A_542 = tpu.vector_load %arg10[%get3A_540, %get3A_541] {strides = array<i32>} : memref<384x32xi32, #tpu.memory_space<vmem>>, vector<16xi32>,
        %bitcast3A_543 = vector.bitcast %get3A_542 : vector<16xi32> to vector<32xbf16>
        %mul3A_544 = arith.mulf %mul3A_338, %bitcast3A_543 : vector<32xbf16>
        %add3A_545 = arith.addf %mul3A_535, %mul3A_544 : vector<32xbf16>
        %bitcast3A_546 = vector.bitcast %add3A_545 : vector<32xbf16> to vector<16xi32>
        %and3A_547 = arith.constant -65536 : i32
        %and3A_548 = vector.broadcast %and3A_547 : i32 to vector<16xi32>
        %and3A_549 = arith.andi %bitcast3A_546, %and3A_548 : vector<16xi32>
        %bitcast3A_550 = vector.bitcast %and3A_549 : vector<16xi32> to vector<16xf32>
        %shift_left3A_551 = arith.constant 16 : i32
        %shift_left3A_552 = vector.broadcast %shift_left3A_551 : i32 to vector<16xi32>
        %shift_left3A_553 = arith.shli %bitcast3A_546, %shift_left3A_552 : vector<16xi32>
        %bitcast3A_554 = vector.bitcast %shift_left3A_553 : vector<16xi32> to vector<16xf32>
        %add3A_555 = arith.addf %bitcast3A_550, %bitcast3A_554 : vector<16xf32>
        %neg3A_556 = arith.constant 0.000000e+00 : f32
        %neg3A_557 = vector.broadcast %neg3A_556 : f32 to vector<16xf32>
        %neg3A_558 = arith.subf %neg3A_557, %add3A_555 : vector<16xf32>
        %mul3A_559 = arith.constant 6 : i32
        %mul3A_560 = arith.muli %add3A_156, %mul3A_559 : i32
        %add3A_561 = arith.constant 5 : i32
        %add3A_562 = arith.addi %mul3A_560, %add3A_561 : i32
        %swap3A_563 = arith.index_cast %add3A_562 : i32 to index
        %swap3A_564 = arith.constant 0 : index
        %swap3A_565 = tpu.vector_load %arg11[%swap3A_563, %swap3A_564] {strides = array<i32>} : memref<384x16xf32, #tpu.memory_space<vmem>>, vector<16xf32>,
        tpu.vector_store %arg11[%swap3A_563, %swap3A_564], %neg3A_558 {strides = array<i32>} : memref<384x16xf32, #tpu.memory_space<vmem>>, vector<16xf32>,
      }
      %scan3A_149 = arith.constant 64 : i32
      %mul3A_150 = arith.constant 6 : i32
      %mul3A_151 = arith.muli %add3A_14, %mul3A_150 : i32
      "tpu.region"() ({
        %run_scoped3A = tpu.sem_alloc : memref<!tpu.dma_semaphore, #tpu.memory_space<semaphore_mem>>
        %dma_start3A_152 = arith.constant 0 : i32
        %dma_start3A_153 = tpu.memref_slice %arg6[%mul3A_151, %dma_start3A_152] : memref<98304x16xf32, #tpu.memory_space<hbm>> -> memref<384x16xf32, #tpu.memory_space<hbm>>
        %dma_start3A_154 = arith.constant 0 : i32
        %dma_start3A_155 = tpu.memref_slice %arg6[%mul3A_151, %dma_start3A_154] : memref<98304x16xf32, #tpu.memory_space<hbm>> -> memref<384x16xf32, #tpu.memory_space<hbm>>
        tpu.enqueue_dma source(%arg11 : memref<384x16xf32, #tpu.memory_space<vmem>>) target(%dma_start3A_155 : memref<384x16xf32, #tpu.memory_space<hbm>>) target_semaphore(%run_scoped3A : memref<!tpu.dma_semaphore, #tpu.memory_space<semaphore_mem>>)
        %dma_wait3A_156 = arith.constant 0 : i32
        %dma_wait3A_157 = tpu.memref_slice %arg6[%mul3A_151, %dma_wait3A_156] : memref<98304x16xf32, #tpu.memory_space<hbm>> -> memref<384x16xf32, #tpu.memory_space<hbm>>
        %dma_wait3A_158 = arith.constant 0 : i32
        %dma_wait3A_159 = tpu.memref_slice %arg6[%mul3A_151, %dma_wait3A_158] : memref<98304x16xf32, #tpu.memory_space<hbm>> -> memref<384x16xf32, #tpu.memory_space<hbm>>
        tpu.wait_dma2 semaphore(%run_scoped3A : memref<!tpu.dma_semaphore, #tpu.memory_space<semaphore_mem>>) src(%arg11 : memref<384x16xf32, #tpu.memory_space<vmem>>) dst(%dma_wait3A_159 : memref<384x16xf32, #tpu.memory_space<hbm>>)
        tpu.yield
      }) : () -> ()
    }
    %scan3A_4 = arith.constant 8 : i32
    return
  }
}

module attributes {stable_mosaic.version = 14 : i64} {
  func.func @body(%arg0: i32, %arg1: memref<64x1664xf32, #tpu.memory_space<vmem>>, %arg2: memref<64x1664xf32, #tpu.memory_space<vmem>>, %arg3: memref<64x1664xf32, #tpu.memory_space<vmem>>, %arg4: memref<64x1664xf32, #tpu.memory_space<vmem>>, %arg5: memref<128x1664xi32, #tpu.memory_space<vmem>>) attributes {dimension_semantics = [#tpu.dimension_semantics<arbitrary>], iteration_bounds = array<i64: 151>, scalar_prefetch = 0 : i64, scratch_operands = 0 : i64, tpu.core_type = #tpu.core_type<tc>, window_params = [{transform_indices = @transform_0, window_bounds = array<i64: 64, 1664>}, {transform_indices = @transform_1, window_bounds = array<i64: 64, 1664>}, {transform_indices = @transform_2, window_bounds = array<i64: 64, 1664>}, {transform_indices = @transform_3, window_bounds = array<i64: 64, 1664>}, {transform_indices = @transform_4, window_bounds = array<i64: 128, 1664>}]} {
    %get3A = arith.constant 0 : index
    %get3A_0 = arith.constant 0 : index
    %get3A_1 = vector.load %arg1[%get3A, %get3A_0] : memref<64x1664xf32, #tpu.memory_space<vmem>>, vector<64x1664xf32>
    %bitcast_convert_type3A = tpu.bitcast %get3A_1 : vector<64x1664xf32> -> vector<64x1664xi32>
    %slice3A = vector.extract_strided_slice %bitcast_convert_type3A {offsets = [0, 0], sizes = [32, 1664], strides = [1, 1]} : vector<64x1664xi32> to vector<32x1664xi32>
    %slice3A_2 = vector.extract_strided_slice %bitcast_convert_type3A {offsets = [32, 0], sizes = [32, 1664], strides = [1, 1]} : vector<64x1664xi32> to vector<32x1664xi32>
    %add3A = arith.constant 32767 : i32
    %add3A_3 = vector.broadcast %add3A : i32 to vector<32x1664xi32>
    %add3A_4 = arith.addi %slice3A, %add3A_3 : vector<32x1664xi32>
    %shift_right_logical3A = arith.constant 16 : i32
    %shift_right_logical3A_5 = vector.broadcast %shift_right_logical3A : i32 to vector<32x1664xi32>
    %shift_right_logical3A_6 = arith.shrui %slice3A, %shift_right_logical3A_5 : vector<32x1664xi32>
    %and3A = arith.constant 1 : i32
    %and3A_7 = vector.broadcast %and3A : i32 to vector<32x1664xi32>
    %and3A_8 = arith.andi %shift_right_logical3A_6, %and3A_7 : vector<32x1664xi32>
    %add3A_9 = arith.addi %add3A_4, %and3A_8 : vector<32x1664xi32>
    %shift_right_logical3A_10 = arith.constant 16 : i32
    %shift_right_logical3A_11 = vector.broadcast %shift_right_logical3A_10 : i32 to vector<32x1664xi32>
    %shift_right_logical3A_12 = arith.shrui %add3A_9, %shift_right_logical3A_11 : vector<32x1664xi32>
    %add3A_13 = arith.constant 32767 : i32
    %add3A_14 = vector.broadcast %add3A_13 : i32 to vector<32x1664xi32>
    %add3A_15 = arith.addi %slice3A_2, %add3A_14 : vector<32x1664xi32>
    %shift_right_logical3A_16 = arith.constant 16 : i32
    %shift_right_logical3A_17 = vector.broadcast %shift_right_logical3A_16 : i32 to vector<32x1664xi32>
    %shift_right_logical3A_18 = arith.shrui %slice3A_2, %shift_right_logical3A_17 : vector<32x1664xi32>
    %and3A_19 = arith.constant 1 : i32
    %and3A_20 = vector.broadcast %and3A_19 : i32 to vector<32x1664xi32>
    %and3A_21 = arith.andi %shift_right_logical3A_18, %and3A_20 : vector<32x1664xi32>
    %add3A_22 = arith.addi %add3A_15, %and3A_21 : vector<32x1664xi32>
    %shift_right_logical3A_23 = arith.constant 16 : i32
    %shift_right_logical3A_24 = vector.broadcast %shift_right_logical3A_23 : i32 to vector<32x1664xi32>
    %shift_right_logical3A_25 = arith.shrui %add3A_22, %shift_right_logical3A_24 : vector<32x1664xi32>
    %shift_left3A = arith.constant 16 : i32
    %shift_left3A_26 = vector.broadcast %shift_left3A : i32 to vector<32x1664xi32>
    %shift_left3A_27 = arith.shli %shift_right_logical3A_25, %shift_left3A_26 : vector<32x1664xi32>
    %or3A = arith.ori %shift_right_logical3A_12, %shift_left3A_27 : vector<32x1664xi32>
    %swap3A = arith.constant 0 : index
    %swap3A_28 = arith.constant 0 : index
    %swap3A_29 = vector.load %arg5[%swap3A, %swap3A_28] : memref<128x1664xi32, #tpu.memory_space<vmem>>, vector<32x1664xi32>
    tpu.vector_store %arg5[%swap3A, %swap3A_28], %or3A {strides = array<i32>} : memref<128x1664xi32, #tpu.memory_space<vmem>>, vector<32x1664xi32>,
    %get3A_30 = arith.constant 0 : index
    %get3A_31 = arith.constant 0 : index
    %get3A_32 = vector.load %arg2[%get3A_30, %get3A_31] : memref<64x1664xf32, #tpu.memory_space<vmem>>, vector<64x1664xf32>
    %bitcast_convert_type3A_33 = tpu.bitcast %get3A_32 : vector<64x1664xf32> -> vector<64x1664xi32>
    %slice3A_34 = vector.extract_strided_slice %bitcast_convert_type3A_33 {offsets = [0, 0], sizes = [32, 1664], strides = [1, 1]} : vector<64x1664xi32> to vector<32x1664xi32>
    %slice3A_35 = vector.extract_strided_slice %bitcast_convert_type3A_33 {offsets = [32, 0], sizes = [32, 1664], strides = [1, 1]} : vector<64x1664xi32> to vector<32x1664xi32>
    %add3A_36 = arith.constant 32767 : i32
    %add3A_37 = vector.broadcast %add3A_36 : i32 to vector<32x1664xi32>
    %add3A_38 = arith.addi %slice3A_34, %add3A_37 : vector<32x1664xi32>
    %shift_right_logical3A_39 = arith.constant 16 : i32
    %shift_right_logical3A_40 = vector.broadcast %shift_right_logical3A_39 : i32 to vector<32x1664xi32>
    %shift_right_logical3A_41 = arith.shrui %slice3A_34, %shift_right_logical3A_40 : vector<32x1664xi32>
    %and3A_42 = arith.constant 1 : i32
    %and3A_43 = vector.broadcast %and3A_42 : i32 to vector<32x1664xi32>
    %and3A_44 = arith.andi %shift_right_logical3A_41, %and3A_43 : vector<32x1664xi32>
    %add3A_45 = arith.addi %add3A_38, %and3A_44 : vector<32x1664xi32>
    %shift_right_logical3A_46 = arith.constant 16 : i32
    %shift_right_logical3A_47 = vector.broadcast %shift_right_logical3A_46 : i32 to vector<32x1664xi32>
    %shift_right_logical3A_48 = arith.shrui %add3A_45, %shift_right_logical3A_47 : vector<32x1664xi32>
    %add3A_49 = arith.constant 32767 : i32
    %add3A_50 = vector.broadcast %add3A_49 : i32 to vector<32x1664xi32>
    %add3A_51 = arith.addi %slice3A_35, %add3A_50 : vector<32x1664xi32>
    %shift_right_logical3A_52 = arith.constant 16 : i32
    %shift_right_logical3A_53 = vector.broadcast %shift_right_logical3A_52 : i32 to vector<32x1664xi32>
    %shift_right_logical3A_54 = arith.shrui %slice3A_35, %shift_right_logical3A_53 : vector<32x1664xi32>
    %and3A_55 = arith.constant 1 : i32
    %and3A_56 = vector.broadcast %and3A_55 : i32 to vector<32x1664xi32>
    %and3A_57 = arith.andi %shift_right_logical3A_54, %and3A_56 : vector<32x1664xi32>
    %add3A_58 = arith.addi %add3A_51, %and3A_57 : vector<32x1664xi32>
    %shift_right_logical3A_59 = arith.constant 16 : i32
    %shift_right_logical3A_60 = vector.broadcast %shift_right_logical3A_59 : i32 to vector<32x1664xi32>
    %shift_right_logical3A_61 = arith.shrui %add3A_58, %shift_right_logical3A_60 : vector<32x1664xi32>
    %shift_left3A_62 = arith.constant 16 : i32
    %shift_left3A_63 = vector.broadcast %shift_left3A_62 : i32 to vector<32x1664xi32>
    %shift_left3A_64 = arith.shli %shift_right_logical3A_61, %shift_left3A_63 : vector<32x1664xi32>
    %or3A_65 = arith.ori %shift_right_logical3A_48, %shift_left3A_64 : vector<32x1664xi32>
    %swap3A_66 = arith.constant 32 : index
    %swap3A_67 = arith.constant 0 : index
    %swap3A_68 = vector.load %arg5[%swap3A_66, %swap3A_67] : memref<128x1664xi32, #tpu.memory_space<vmem>>, vector<32x1664xi32>
    tpu.vector_store %arg5[%swap3A_66, %swap3A_67], %or3A_65 {strides = array<i32>} : memref<128x1664xi32, #tpu.memory_space<vmem>>, vector<32x1664xi32>,
    %get3A_69 = arith.constant 0 : index
    %get3A_70 = arith.constant 0 : index
    %get3A_71 = vector.load %arg3[%get3A_69, %get3A_70] : memref<64x1664xf32, #tpu.memory_space<vmem>>, vector<64x1664xf32>
    %bitcast_convert_type3A_72 = tpu.bitcast %get3A_71 : vector<64x1664xf32> -> vector<64x1664xi32>
    %slice3A_73 = vector.extract_strided_slice %bitcast_convert_type3A_72 {offsets = [0, 0], sizes = [32, 1664], strides = [1, 1]} : vector<64x1664xi32> to vector<32x1664xi32>
    %slice3A_74 = vector.extract_strided_slice %bitcast_convert_type3A_72 {offsets = [32, 0], sizes = [32, 1664], strides = [1, 1]} : vector<64x1664xi32> to vector<32x1664xi32>
    %add3A_75 = arith.constant 32767 : i32
    %add3A_76 = vector.broadcast %add3A_75 : i32 to vector<32x1664xi32>
    %add3A_77 = arith.addi %slice3A_73, %add3A_76 : vector<32x1664xi32>
    %shift_right_logical3A_78 = arith.constant 16 : i32
    %shift_right_logical3A_79 = vector.broadcast %shift_right_logical3A_78 : i32 to vector<32x1664xi32>
    %shift_right_logical3A_80 = arith.shrui %slice3A_73, %shift_right_logical3A_79 : vector<32x1664xi32>
    %and3A_81 = arith.constant 1 : i32
    %and3A_82 = vector.broadcast %and3A_81 : i32 to vector<32x1664xi32>
    %and3A_83 = arith.andi %shift_right_logical3A_80, %and3A_82 : vector<32x1664xi32>
    %add3A_84 = arith.addi %add3A_77, %and3A_83 : vector<32x1664xi32>
    %shift_right_logical3A_85 = arith.constant 16 : i32
    %shift_right_logical3A_86 = vector.broadcast %shift_right_logical3A_85 : i32 to vector<32x1664xi32>
    %shift_right_logical3A_87 = arith.shrui %add3A_84, %shift_right_logical3A_86 : vector<32x1664xi32>
    %add3A_88 = arith.constant 32767 : i32
    %add3A_89 = vector.broadcast %add3A_88 : i32 to vector<32x1664xi32>
    %add3A_90 = arith.addi %slice3A_74, %add3A_89 : vector<32x1664xi32>
    %shift_right_logical3A_91 = arith.constant 16 : i32
    %shift_right_logical3A_92 = vector.broadcast %shift_right_logical3A_91 : i32 to vector<32x1664xi32>
    %shift_right_logical3A_93 = arith.shrui %slice3A_74, %shift_right_logical3A_92 : vector<32x1664xi32>
    %and3A_94 = arith.constant 1 : i32
    %and3A_95 = vector.broadcast %and3A_94 : i32 to vector<32x1664xi32>
    %and3A_96 = arith.andi %shift_right_logical3A_93, %and3A_95 : vector<32x1664xi32>
    %add3A_97 = arith.addi %add3A_90, %and3A_96 : vector<32x1664xi32>
    %shift_right_logical3A_98 = arith.constant 16 : i32
    %shift_right_logical3A_99 = vector.broadcast %shift_right_logical3A_98 : i32 to vector<32x1664xi32>
    %shift_right_logical3A_100 = arith.shrui %add3A_97, %shift_right_logical3A_99 : vector<32x1664xi32>
    %shift_left3A_101 = arith.constant 16 : i32
    %shift_left3A_102 = vector.broadcast %shift_left3A_101 : i32 to vector<32x1664xi32>
    %shift_left3A_103 = arith.shli %shift_right_logical3A_100, %shift_left3A_102 : vector<32x1664xi32>
    %or3A_104 = arith.ori %shift_right_logical3A_87, %shift_left3A_103 : vector<32x1664xi32>
    %swap3A_105 = arith.constant 64 : index
    %swap3A_106 = arith.constant 0 : index
    %swap3A_107 = vector.load %arg5[%swap3A_105, %swap3A_106] : memref<128x1664xi32, #tpu.memory_space<vmem>>, vector<32x1664xi32>
    tpu.vector_store %arg5[%swap3A_105, %swap3A_106], %or3A_104 {strides = array<i32>} : memref<128x1664xi32, #tpu.memory_space<vmem>>, vector<32x1664xi32>,
    %get3A_108 = arith.constant 0 : index
    %get3A_109 = arith.constant 0 : index
    %get3A_110 = vector.load %arg4[%get3A_108, %get3A_109] : memref<64x1664xf32, #tpu.memory_space<vmem>>, vector<64x1664xf32>
    %bitcast_convert_type3A_111 = tpu.bitcast %get3A_110 : vector<64x1664xf32> -> vector<64x1664xi32>
    %slice3A_112 = vector.extract_strided_slice %bitcast_convert_type3A_111 {offsets = [0, 0], sizes = [32, 1664], strides = [1, 1]} : vector<64x1664xi32> to vector<32x1664xi32>
    %slice3A_113 = vector.extract_strided_slice %bitcast_convert_type3A_111 {offsets = [32, 0], sizes = [32, 1664], strides = [1, 1]} : vector<64x1664xi32> to vector<32x1664xi32>
    %add3A_114 = arith.constant 32767 : i32
    %add3A_115 = vector.broadcast %add3A_114 : i32 to vector<32x1664xi32>
    %add3A_116 = arith.addi %slice3A_112, %add3A_115 : vector<32x1664xi32>
    %shift_right_logical3A_117 = arith.constant 16 : i32
    %shift_right_logical3A_118 = vector.broadcast %shift_right_logical3A_117 : i32 to vector<32x1664xi32>
    %shift_right_logical3A_119 = arith.shrui %slice3A_112, %shift_right_logical3A_118 : vector<32x1664xi32>
    %and3A_120 = arith.constant 1 : i32
    %and3A_121 = vector.broadcast %and3A_120 : i32 to vector<32x1664xi32>
    %and3A_122 = arith.andi %shift_right_logical3A_119, %and3A_121 : vector<32x1664xi32>
    %add3A_123 = arith.addi %add3A_116, %and3A_122 : vector<32x1664xi32>
    %shift_right_logical3A_124 = arith.constant 16 : i32
    %shift_right_logical3A_125 = vector.broadcast %shift_right_logical3A_124 : i32 to vector<32x1664xi32>
    %shift_right_logical3A_126 = arith.shrui %add3A_123, %shift_right_logical3A_125 : vector<32x1664xi32>
    %add3A_127 = arith.constant 32767 : i32
    %add3A_128 = vector.broadcast %add3A_127 : i32 to vector<32x1664xi32>
    %add3A_129 = arith.addi %slice3A_113, %add3A_128 : vector<32x1664xi32>
    %shift_right_logical3A_130 = arith.constant 16 : i32
    %shift_right_logical3A_131 = vector.broadcast %shift_right_logical3A_130 : i32 to vector<32x1664xi32>
    %shift_right_logical3A_132 = arith.shrui %slice3A_113, %shift_right_logical3A_131 : vector<32x1664xi32>
    %and3A_133 = arith.constant 1 : i32
    %and3A_134 = vector.broadcast %and3A_133 : i32 to vector<32x1664xi32>
    %and3A_135 = arith.andi %shift_right_logical3A_132, %and3A_134 : vector<32x1664xi32>
    %add3A_136 = arith.addi %add3A_129, %and3A_135 : vector<32x1664xi32>
    %shift_right_logical3A_137 = arith.constant 16 : i32
    %shift_right_logical3A_138 = vector.broadcast %shift_right_logical3A_137 : i32 to vector<32x1664xi32>
    %shift_right_logical3A_139 = arith.shrui %add3A_136, %shift_right_logical3A_138 : vector<32x1664xi32>
    %shift_left3A_140 = arith.constant 16 : i32
    %shift_left3A_141 = vector.broadcast %shift_left3A_140 : i32 to vector<32x1664xi32>
    %shift_left3A_142 = arith.shli %shift_right_logical3A_139, %shift_left3A_141 : vector<32x1664xi32>
    %or3A_143 = arith.ori %shift_right_logical3A_126, %shift_left3A_142 : vector<32x1664xi32>
    %swap3A_144 = arith.constant 96 : index
    %swap3A_145 = arith.constant 0 : index
    %swap3A_146 = vector.load %arg5[%swap3A_144, %swap3A_145] : memref<128x1664xi32, #tpu.memory_space<vmem>>, vector<32x1664xi32>
    tpu.vector_store %arg5[%swap3A_144, %swap3A_145], %or3A_143 {strides = array<i32>} : memref<128x1664xi32, #tpu.memory_space<vmem>>, vector<32x1664xi32>,
    return
  }
  func.func @transform_0(%arg0: i32) -> (i32, i32) {
    %add3A = arith.constant 0 : i32
    %add3A_0 = arith.addi %arg0, %add3A : i32
    %c0_i32 = arith.constant 0 : i32
    %c0_i32_1 = arith.constant 0 : i32
    return %c0_i32, %add3A_0 : i32, i32
  }
  func.func @transform_1(%arg0: i32) -> (i32, i32) {
    %add3A = arith.constant 150 : i32
    %add3A_0 = arith.addi %arg0, %add3A : i32
    %c0_i32 = arith.constant 0 : i32
    %c0_i32_1 = arith.constant 0 : i32
    return %c0_i32, %add3A_0 : i32, i32
  }
  func.func @transform_2(%arg0: i32) -> (i32, i32) {
    %add3A = arith.constant 300 : i32
    %add3A_0 = arith.addi %arg0, %add3A : i32
    %c0_i32 = arith.constant 0 : i32
    %c0_i32_1 = arith.constant 0 : i32
    return %c0_i32, %add3A_0 : i32, i32
  }
  func.func @transform_3(%arg0: i32) -> (i32, i32) {
    %add3A = arith.constant 450 : i32
    %add3A_0 = arith.addi %arg0, %add3A : i32
    %c0_i32 = arith.constant 0 : i32
    %c0_i32_1 = arith.constant 0 : i32
    return %c0_i32, %add3A_0 : i32, i32
  }
  func.func @transform_4(%arg0: i32) -> (i32, i32) {
    %c0_i32 = arith.constant 0 : i32
    %c0_i32_0 = arith.constant 0 : i32
    return %c0_i32, %arg0 : i32, i32
  }
}

module attributes {stable_mosaic.version = 14 : i64} {
  func.func @body(%arg0: i32, %arg1: memref<8192x16xf32, #tpu.memory_space<vmem>>, %arg2: memref<1x1xf32, #tpu.memory_space<vmem>>) attributes {dimension_semantics = [#tpu.dimension_semantics<arbitrary>], iteration_bounds = array<i64: 12>, scalar_prefetch = 0 : i64, scratch_operands = 0 : i64, tpu.core_type = #tpu.core_type<tc>, window_params = [{transform_indices = @transform_0, window_bounds = array<i64: 8192, 16>}, {pipeline_mode = #tpu.pipeline_mode<synchronous>, transform_indices = @transform_1, window_bounds = array<i64: 1, 1>}]} {
    %eq3A = arith.constant 0 : i32
    %eq3A_0 = arith.cmpi eq, %arg0, %eq3A : i32
    %convert_element_type3A = arith.extui %eq3A_0 : i1 to i32
    %cond3A = arith.constant 0 : i32
    %cond3A_1 = arith.cmpi ne, %convert_element_type3A, %cond3A : i32
    scf.if %cond3A_1 {
      %broadcast_in_dim3A_31 = arith.constant 0.000000e+00 : f32
      %broadcast_in_dim3A_32 = vector.broadcast %broadcast_in_dim3A_31 : f32 to vector<1x1xf32>
      %swap3A_33 = arith.constant 0 : index
      %swap3A_34 = arith.constant 0 : index
      %swap3A_35 = vector.load %arg2[%swap3A_33, %swap3A_34] : memref<1x1xf32, #tpu.memory_space<vmem>>, vector<1x1xf32>
      tpu.vector_store %arg2[%swap3A_33, %swap3A_34], %broadcast_in_dim3A_32 {strides = array<i32>} : memref<1x1xf32, #tpu.memory_space<vmem>>, vector<1x1xf32>,
    } else {
    }
    %get3A = arith.constant 0 : index
    %get3A_2 = arith.constant 0 : index
    %get3A_3 = vector.load %arg1[%get3A, %get3A_2] : memref<8192x16xf32, #tpu.memory_space<vmem>>, vector<8192x16xf32>
    %reduce_sum3A = arith.constant dense<0.000000e+00> : vector<8192xf32>
    %reduce_sum3A_4 = vector.multi_reduction <add>, %get3A_3, %reduce_sum3A [1] : vector<8192x16xf32> to vector<8192xf32>
    %get3A_5 = arith.constant 0 : index
    %get3A_6 = arith.constant 0 : index
    %get3A_7 = vector.load %arg2[%get3A_5, %get3A_6] : memref<1x1xf32, #tpu.memory_space<vmem>>, vector<1x1xf32>
    %neg3A = arith.constant 0.000000e+00 : f32
    %neg3A_8 = vector.broadcast %neg3A : f32 to vector<8192xf32>
    %neg3A_9 = arith.subf %neg3A_8, %reduce_sum3A_4 : vector<8192xf32>
    %custom_jvp_call3A = arith.constant 0.000000e+00 : f32
    %max3A = vector.broadcast %custom_jvp_call3A : f32 to vector<8192xf32>
    %max3A_10 = arith.maximumf %neg3A_9, %max3A : vector<8192xf32>
    %sub3A = vector.broadcast %custom_jvp_call3A : f32 to vector<8192xf32>
    %sub3A_11 = arith.subf %neg3A_9, %sub3A : vector<8192xf32>
    %ne3A = arith.cmpf one, %sub3A_11, %sub3A_11 : vector<8192xf32>
    %add3A = vector.broadcast %custom_jvp_call3A : f32 to vector<8192xf32>
    %add3A_12 = arith.addf %neg3A_9, %add3A : vector<8192xf32>
    %abs3A = math.absf %sub3A_11 : vector<8192xf32>
    %neg3A_13 = arith.constant 0.000000e+00 : f32
    %neg3A_14 = vector.broadcast %neg3A_13 : f32 to vector<8192xf32>
    %neg3A_15 = arith.subf %neg3A_14, %abs3A : vector<8192xf32>
    %exp3A = math.exp %neg3A_15 : vector<8192xf32>
    %log1p3A = math.log1p %exp3A : vector<8192xf32>
    %add3A_16 = arith.addf %max3A_10, %log1p3A : vector<8192xf32>
    %select_n3A = arith.select %ne3A, %add3A_12, %add3A_16 : vector<8192xi1>, vector<8192xf32>
    %neg3A_17 = arith.constant 0.000000e+00 : f32
    %neg3A_18 = vector.broadcast %neg3A_17 : f32 to vector<8192xf32>
    %neg3A_19 = arith.subf %neg3A_18, %select_n3A : vector<8192xf32>
    %reduce_sum3A_20 = vector.shape_cast %neg3A_19 : vector<8192xf32> to vector<1x8192xf32>
    %reduce_sum3A_21 = arith.constant dense<0.000000e+00> : vector<1xf32>
    %reduce_sum3A_22 = vector.multi_reduction <add>, %reduce_sum3A_20, %reduce_sum3A_21 [1] : vector<1x8192xf32> to vector<1xf32>
    %reduce_sum3A_23 = vector.shape_cast %reduce_sum3A_22 : vector<1xf32> to vector<1x1xf32>
    %reduce_sum3A_24 = vector.extract %reduce_sum3A_23[0, 0] : f32 from vector<1x1xf32>
    %broadcast_in_dim3A = vector.broadcast %reduce_sum3A_24 : f32 to vector<1x1xf32>
    %neg3A_25 = arith.constant 0.000000e+00 : f32
    %neg3A_26 = vector.broadcast %neg3A_25 : f32 to vector<1x1xf32>
    %neg3A_27 = arith.subf %neg3A_26, %broadcast_in_dim3A : vector<1x1xf32>
    %add3A_28 = arith.addf %get3A_7, %neg3A_27 : vector<1x1xf32>
    %swap3A = arith.constant 0 : index
    %swap3A_29 = arith.constant 0 : index
    %swap3A_30 = vector.load %arg2[%swap3A, %swap3A_29] : memref<1x1xf32, #tpu.memory_space<vmem>>, vector<1x1xf32>
    tpu.vector_store %arg2[%swap3A, %swap3A_29], %add3A_28 {strides = array<i32>} : memref<1x1xf32, #tpu.memory_space<vmem>>, vector<1x1xf32>,
    return
  }
  func.func @transform_0(%arg0: i32) -> (i32, i32) {
    %c0_i32 = arith.constant 0 : i32
    %c0_i32_0 = arith.constant 0 : i32
    return %arg0, %c0_i32 : i32, i32
  }
  func.func @transform_1(%arg0: i32) -> (i32, i32) {
    %c0_i32 = arith.constant 0 : i32
    %c0_i32_0 = arith.constant 0 : i32
    %c0_i32_1 = arith.constant 0 : i32
    return %c0_i32, %c0_i32_0 : i32, i32
  }
}

</mosaic_0001>

<sc_bundles>
// kernel: kernel.6.cloned.1.call-start
scs
__scs_entry_jumppad:
0x0: {  	(pc) =	sbr.rel $0x88, $3  }
0x1: {  	(tag) =	ssettag $0x0;
	lr =	simm.s32 $0x1  }
0x2: {  	[smem:$0x3F9C] =	sst lr;
	_ =	strace $0xD0000000  }
0x3: {  	_ = 	snop  }
0x4: {  	_ = 	snop  }
0x5: {  	_ = 	snop  }
0x6: {  	_ = 	snop  }
0x7: {  	_ = 	snop  }
__scs_overlays_trampoline_lowered:
0x8: {  	[smem:$0x3FAB] =	sst s0  }
0x9: {  	[smem:$0x3FAC] =	sst s1  }
0xa: {  	[smem:$0x3FAD] =	sst s2  }
0xb: {  	[smem:$0x3FAE] =	sst s3  }
0xc: {  	[smem:$0x3FAF] =	sst s4  }
0xd: {  	[smem:$0x3FB0] =	sst s5  }
0xe: {  	[smem:$0x3FB1] =	sst s6  }
0xf: {  	[smem:$0x3FB2] =	sst s7  }
0x10: {  	[smem:$0x3FB3] =	sst s8  }
0x11: {  	[smem:$0x3FB4] =	sst s9;
	s0 =	simm.s32 @!p0 $0x0  }
0x12: {  	s1 =	sld [smem:$0x3F9A];
	s0 =	simm.s32 @p0 $0x1  }
0x13: {  	[smem:$0x3FB5] =	sst s0;
	s0 =	simm.s32 @!p1 $0x0  }
0x14: {  	s2 =	sld [smem:$0x3F99];
	s0 =	simm.s32 @p1 $0x1  }
0x15: {  	[smem:$0x3FB6] =	sst s0;
	s0 =	simm.s32 @!p2 $0x0  }
0x16: {  	s3 =	sld [smem:$0x3FDB];
	s0 =	simm.s32 @p2 $0x1  }
0x17: {  	s4 =	simm.s32 $0x1BF5;
	[smem:$0x3FB8] =	sst s0  }
0x18: {  	s0 =	sld [smem:$0x3F9B];
	_ =	swait.ge [sflag:s4], $0x0  }
0x19: {  	s7 =	sld [smem:$0x3F9C]  }
0x1a: {  	s8 =	sadd.s32 $0xFFFFE003, lr  }
0x1b: {  	s9 =	sadd.s32 $0xFFFFFEF7, lr;
	s5 =	simm.s32 $0xFFFFFFFF;
	p2 =	slt.u32 s8, $0xFFFFF086  }
0x1c: {  	p1 =	slt.u32 s9, $0xF7A;
	s5 =	simm.s32 @!p2 $0x0  }
0x1d: {  	s5 =	simm.s32 @p1 $0x1;
	p0 =	seq.s32 s7, s2  }
0x1e: {  	s7 =	smul.u32 @!p0 $0xF7A, s2;
	p2 =	seq.s32 @!p0 s5, $0x0  }
0x1f: {  	s9 =	smul.u32 $0xF7A, s1;
	s8 =	simm.s32 @!p0 $0x1BF5;
	p2 =	por !p2, p0  }
0x20: {  	[sflag:s8] =	ssyncset.s32 @!p0 $0xFFFFF086;
	s6 =	sadd.s32 @!p0 s3, s7;
	s7 =	simm.s32 @!p0 $0x108  }
0x21: {  	s3 =	sadd.s32 s3, s9;
	s6 =	sadd.s32 @!p0 $0x88, s6;
	s7 =	simm.s32 @p2 $0x1082  }
0x22: {  	[simem:s7], [sflag:s8] =	dma.local @!p0 [hbm:s6], $0xF7A  }
0x23: {  	s9 =	sor.u32 $0xD0000000, s2;
	s6 =	simm.s32 $0x108;
	_ =	swait.ge @!p0 [sflag:s8], $0x0  }
0x24: {  	s3 =	sadd.s32 $0x88, s3;
	s6 =	simm.s32 @!p1 $0x1082;
	[sflag:s4] =	ssyncset.s32 $0xFFFFF086  }
0x25: {  	[simem:s6], [sflag:s4] =	dma.local [hbm:s3], $0xF7A  }
0x26: {  	[smem:$0x3F9C] =	sst s1;
	(tag) =	ssettag s2;
	_ =	strace s9  }
0x27: {  	s1 =	sld [smem:$0x3FAC]  }
0x28: {  	s2 =	sld [smem:$0x3FAD]  }
0x29: {  	s4 =	sld [smem:$0x3FAF]  }
0x2a: {  	p0 =	seq.s32 s5, $0x0;
	s5 =	sld [smem:$0x3FB0]  }
0x2b: {  	s6 =	sld [smem:$0x3FB1]  }
0x2c: {  	s7 =	sld [smem:$0x3FB2]  }
0x2d: {  	s3 =	simm.s32 $0x108;
	s8 =	sld [smem:$0x3FB3]  }
0x2e: {  	s3 =	simm.s32 @!p0 $0x1082;
	s9 =	sld [smem:$0x3FB4]  }
0x2f: {  	lr =	sadd.s32 s0, s3;
	s0 =	sld [smem:$0x3FAB]  }
0x30: {  	s3 =	sld [smem:$0x3FAE]  }
0x31: {  	[smem:$0x3FB7] =	sst s10  }
0x32: {  	s10 =	sld [smem:$0x3FB5];
	_ =	sdelay $0x3  }
0x33: {  	p0 =	seq.s32 s10, $0x1;
	s10 =	sld [smem:$0x3FB7];
	_ =	sdelay $0x3  }
0x34: {  	[smem:$0x3FB7] =	sst s10  }
0x35: {  	s10 =	sld [smem:$0x3FB6];
	_ =	sdelay $0x3  }
0x36: {  	p1 =	seq.s32 s10, $0x1;
	s10 =	sld [smem:$0x3FB7];
	_ =	sdelay $0x3  }
0x37: {  	[smem:$0x3FB7] =	sst s10  }
0x38: {  	s10 =	sld [smem:$0x3FB8]  }
0x39: {  	_ = 	snop;
	(pc) =	sbr.ind lr, $3  }
0x3a: {  	_ = 	snop  }
0x3b: {  	_ = 	snop  }
0x3c: {  	p2 =	seq.s32 s10, $0x1;
	s10 =	sld [smem:$0x3FB7]  }
0x3d: {  	_ =	shalt  }
0x3e: {  	_ =	shalt  }
0x3f: {  	_ =	shalt  }
0x40: {  	_ =	shalt  }
0x41: {  	_ =	shalt  }
0x42: {  	_ =	shalt  }
0x43: {  	_ =	shalt  }
0x44: {  	_ =	shalt  }
0x45: {  	_ =	shalt  }
0x46: {  	_ =	shalt  }
0x47: {  	_ =	shalt  }
0x48: {  	_ =	shalt  }
0x49: {  	_ =	shalt  }
0x4a: {  	_ =	shalt  }
0x4b: {  	_ =	shalt  }
0x4c: {  	_ =	shalt  }
0x4d: {  	_ =	shalt  }
0x4e: {  	_ =	shalt  }
0x4f: {  	_ =	shalt  }
0x50: {  	_ =	shalt  }
0x51: {  	_ =	shalt  }
0x52: {  	_ =	shalt  }
0x53: {  	_ =	shalt  }
0x54: {  	_ =	shalt  }
0x55: {  	_ =	shalt  }
0x56: {  	_ =	shalt  }
0x57: {  	_ =	shalt  }
0x58: {  	_ =	shalt  }
0x59: {  	_ =	shalt  }
0x5a: {  	_ =	shalt  }
0x5b: {  	_ =	shalt  }
0x5c: {  	_ =	shalt  }
0x5d: {  	_ =	shalt  }
0x5e: {  	_ =	shalt  }
0x5f: {  	_ =	shalt  }
0x60: {  	_ =	shalt  }
0x61: {  	_ =	shalt  }
0x62: {  	_ =	shalt  }
0x63: {  	_ =	shalt  }
0x64: {  	_ =	shalt  }
0x65: {  	_ =	shalt  }
0x66: {  	_ =	shalt  }
0x67: {  	_ =	shalt  }
0x68: {  	_ =	shalt  }
0x69: {  	_ =	shalt  }
0x6a: {  	_ =	shalt  }
0x6b: {  	_ =	shalt  }
0x6c: {  	_ =	shalt  }
0x6d: {  	_ =	shalt  }
0x6e: {  	_ =	shalt  }
0x6f: {  	_ =	shalt  }
0x70: {  	_ =	shalt  }
0x71: {  	_ =	shalt  }
0x72: {  	_ =	shalt  }
0x73: {  	_ =	shalt  }
0x74: {  	_ =	shalt  }
0x75: {  	_ =	shalt  }
0x76: {  	_ =	shalt  }
0x77: {  	_ =	shalt  }
0x78: {  	_ =	shalt  }
0x79: {  	_ =	shalt  }
0x7a: {  	_ =	shalt  }
0x7b: {  	_ =	shalt  }
0x7c: {  	_ =	shalt  }
0x7d: {  	_ =	shalt  }
0x7e: {  	_ =	shalt  }
0x7f: {  	_ =	shalt  }
0x80: {  	_ =	shalt  }
0x81: {  	_ =	shalt  }
0x82: {  	_ =	shalt  }
0x83: {  	_ =	shalt  }
0x84: {  	_ =	shalt  }
0x85: {  	_ =	shalt  }
0x86: {  	_ =	shalt  }
0x87: {  	_ =	shalt  }
.Lfunc_end0:
.L_simem_size_0:
called_computation.2_lowered:
.L_overlay_start_0:
0x88: {  	s2 =	sld [smem:$0x3FD9]  }
0x89: {  	s3 =	sld [smem:$0x3FFE];
	_ =	sdelay $0x1  }
0x8a: {  	s1 =	srdreg.scid  }
0x8b: {  	s0 =	sand.u32 $0x1, s1  }
0x8c: {  	s16 =	sshll.u32 s0, $0xA;
	s2 =	sadd.s32 s3, s2  }
0x8d: {  	s2 =	sadd.s32 s2, s16  }
0x8e: {  	[smem:$0x3FC3] =	sst s2  }
0x8f: {  	_ = 	snop  }
0x90: {  	(tm) =	ssettm $0x1  }
0x91: {  	s17 =	sld [smem:$0x3FFB];
	_ =	sdelay $0x3  }
0x92: {  	_ =	strace s17  }
0x93: {  	s2 =	sld [smem:$0x3FFC];
	_ =	sdelay $0x3  }
0x94: {  	_ =	strace s2  }
0x95: {  	s2 =	sld [smem:$0x3FFD];
	_ =	sdelay $0x3  }
0x96: {  	_ =	strace s2  }
0x97: {  	_ =	strace $0x8FFFFFFF  }
0x98: {  	s18 =	sld [smem:$0x3FDB];
	_ =	sdelay $0x1  }
0x99: {  	s19 =	simm.s32 $_scs_section_size  }
0x9a: {  	s4 =	simm.s32 $_size__tile_overlayer_lowered;
	s5 =	simm.s32 $_tile_overlayer_lowered  }
0x9b: {  	s22 =	simm.s32 $0x1BFF;
	s21 =	sshll.u32 s5, $0x1;
	s2 =	sadd.s32 s19, s18  }
0x9c: {  	s6 =	simm.s32 $0x0;
	s20 =	sshll.u32 s4, $0x1;
	s4 =	sadd.s32 s21, s2  }
0x9d: {  	[timem:s6], [sflag:s22] =	dma.local [hbm:s4], s20  }
0x9e: {  	_ =	swait.ge [sflag:s22], s20  }
0x9f: {  	s3 =	ssub.s32 $0x0, s20;
	[sflag:s22] =	ssyncset.done $0x0  }
0xa0: {  	[sflag:s22] =	ssyncadd.s32 s3;
	_ =	sdelay $0x1  }
0xa1: {  	s23 =	simm.s32 $0x1B8B  }
0xa2: {  	_ =	swait.ge [sflag:s23], $0x1  }
0xa3: {  	[sflag:s23] =	ssyncset.done $0x0  }
0xa4: {  	s25 =	simm.s32 $0x1B8E;
	s24 =	sld [smem:$0x3FFE];
	[sflag:s23] =	ssyncadd.s32 $0xFFFFFFFF  }
0xa5: {  	s26 =	simm.s32 $execute0_lowered;
	[smem:$0x3FD2] =	sst s25  }
0xa6: {  	s4 =	sshll.u32 s26, $0x1;
	_ =	strace $0x8000004C;
	[dreg:$0x1] =	wrdreg $0xFFFFFFFF  }
0xa7: {  	s28 =	simm.s32 $_size_execute0_lowered;
	s2 =	sadd.s32 s2, s4;
	[dreg:$0x0] =	wrdreg $0x0  }
0xa8: {  	s4 =	sshll.u32 s28, $0x1;
	[dreg:$0x2] =	wrdreg s2  }
0xa9: {  	[dreg:$0x3] =	wrdreg s4  }
0xaa: {  	[dreg:$0x4] =	wrdreg $0xC0  }
0xab: {  	_ =	task [dreg:s6], $0x5FFFF  }
0xac: {  	[dreg:$0x1] =	wrdreg $0xFFFFFFFF  }
0xad: {  	[dreg:$0x0] =	wrdreg $0x60  }
0xae: {  	[dreg:$0x2] =	wrdreg s24  }
0xaf: {  	[dreg:$0x3] =	wrdreg $0x9  }
0xb0: {  	_ =	task.clear_ibuf [dreg:s6], $0x4FFFF;
	_ =	strace $0x9000004C  }
0xb1: {  	s29 =	simm.s32 $0x9;
	_ =	strace $0x8000004E  }
0xb2: {  	_ =	swait.ge [sflag:s29], $0x1  }
0xb3: {  	[sflag:s29] =	ssyncadd.s32 $0xFFFFFFFF  }
0xb4: {  	_ =	strace $0x9000004E  }
0xb5: {  	_ =	sfence  }
0xb6: {  	s30 =	sld [smem:$0x0];
	_ =	sdelay $0x2  }
0xb7: {  	s31 =	sshll.u32 s1, $0xD;
	s1 =	sshrl.u32 s1, $0x2  }
0xb8: {  	s3 =	sand.u32 $0x4000, s31;
	s1 =	sadd.s32 s1, s30  }
0xb9: {  	s0 =	sor.u32 s3, s0;
	s1 =	sshll.u32 s1, $0x11  }
0xba: {  	s0 =	sor.u32 s1, s0  }
0xbb: {  	s0 =	sadd.s32 $0x8F2B, s0  }
0xbc: {  	[sflag:s0] =	ssyncadd.remote.s32 $0x1  }
0xbd: {  	_ =	sfence.sel $0xFFFF  }
0xbe: {  	[dreg:$0x0] =	wrdreg $0xFFFFFFFF;
	(pc) =	sbr.abs _section_cstart, $3  }
0xbf: {  	[dreg:$0x1] =	wrdreg $0xFFFFFFFF  }
0xc0: {  	_ =	task.clear_ibuf [dreg:s6], $0x2FFFF;
	_ =	strace $0x9FFFFFFF  }
0xc1: {  	(tm) =	ssettm $0x7FFFFFFF  }
tec
execute0_lowered:
.L_overlay_start_1:
0x0: {  	(tag) =	ssettag $0x1  }
0x1: {  	s0 =	rddreg [dreg:$0x0];
	s1 =	simm.s32 $0x0  }
0x2: {  	s4 =	srdreg.scid;
	s9 =	stileid.u32;
	s10 =	simm.s32 $0x2  }
0x3: {  	s11 =	simm.s32 $0x280;
	s12 =	simm.s32 $0x80;
	s14 =	simm.s32 $0x1400  }
0x4: {  	s15 =	simm.s32 $0x100;
	s16 =	simm.s32 $0x2400;
	s17 =	simm.s32 $0x180  }
0x5: {  	s18 =	simm.s32 $0x3400;
	s19 =	simm.s32 $0x200;
	s20 =	simm.s32 $0x4400  }
0x6: {  	s21 =	simm.s32 $0x5400;
	s22 =	simm.s32 $0x300;
	s23 =	simm.s32 $0x6400  }
0x7: {  	s24 =	simm.s32 $0x380;
	s25 =	simm.s32 $0x7400;
	s26 =	simm.s32 $0x1  }
0x8: {  	s28 =	simm.s32 $0x8400;
	[smem:$0x7FF] =	sst s1;
	s4 =	sand.u32 $0x1, s4  }
0x9: {  	s2 =	sadd.s32 $0xB81A00, s0;
	s3 =	sadd.s32 $0x3D6A00, s0;
	s8 =	ssub.s32 $0x2, s4  }
0xa: {  	s5 =	sadd.s32 $0xF5A200, s0;
	s6 =	sadd.s32 $0xF57200, s0;
	s30 =	sshrl.u32 s8, $0x1  }
0xb: {  	s7 =	sadd.s32 $0x1200, s0;
	s31 =	sshll.u32 s9, $0xA;
	s0 =	ssub.s32 s8, s30  }
0xc: {  	_ =	strace $0x8000004D;
	s4 =	sshll.u32 s4, $0x9;
	s0 =	smax.u32 s0, $0x1  }
0xd: {  	v0 =	vimm.bf16 $1.0010e-01;
	s8 =	sor.u32 s4, s31;
	s4 =	simm.s32 $0x0;
	[dreg:$0x2] =	wrdreg s0  }
.LBB2_1:
0xe: {  	[dreg:$0x3] =	wrdreg s4;
	s30 =	simm.s32 $0x0  }
.LBB2_2:
0xf: {  	s0 =	sshll.u32 s30, $0x6  }
0x10: {  	s31 =	sadd.s32 s8, s0  }
0x11: {  	s0 =	smul.u32 $0xA, s31;
	_ =	sdelay $0x1  }
0x12: {  	s0 =	sshrl.u32 s0, $0x3  }
0x13: {  	s9 =	smul.u32 $0x6, s31;
	s0 =	sadd.s32 s5, s0  }
0x14: {  	[tilespmem:s1], [sflag:$0x2] =	stream.linear.gather [hbm4b:s0+s1], $0x280, $0x38;
	[tilespmem:$0x9C00] =	vst v63  }
0x15: {  	_ =	swait.ge [sflag:s10], $0x280  }
0x16: {  	s0 =	sshrl.u32 s9, $0x3;
	[sflag:s10] =	ssyncset.done $0x0  }
0x17: {  	s0 =	sadd.s32 s6, s0;
	[sflag:s10] =	ssyncadd.s32 $0xFFFFFD80  }
0x18: {  	[tilespmem:s11], [sflag:$0x2] =	stream.linear.gather [hbm4b:s0+s1], $0x180, $0x38;
	[tilespmem:$0x9C00] =	vst v63  }
0x19: {  	_ =	swait.ge [sflag:s10], $0x180  }
0x1a: {  	[sflag:s10] =	ssyncset.done $0x0  }
0x1b: {  	s13 =	simm.s32 $0x400;
	[sflag:s10] =	ssyncadd.s32 $0xFFFFFE80  }
0x1c: {  	[tilespmem:s13], [sflag:$0x1] =	stream.indirect.gather [hbm4b:s2+s12], $0x20, s1, s12, $0xb8;
	[tilespmem:$0x9C00] =	vst v63  }
0x1d: {  	_ = 	snop  }
0x1e: {  	[tilespmem:s14], [sflag:$0x1] =	stream.indirect.gather [hbm4b:s2+s12], $0x20, s12, s12, $0xb8;
	[tilespmem:$0x9C00] =	vst v63  }
0x1f: {  	_ = 	snop  }
0x20: {  	[tilespmem:s16], [sflag:$0x1] =	stream.indirect.gather [hbm4b:s2+s12], $0x20, s15, s12, $0xb8;
	[tilespmem:$0x9C00] =	vst v63  }
0x21: {  	_ = 	snop  }
0x22: {  	[tilespmem:s18], [sflag:$0x1] =	stream.indirect.gather [hbm4b:s2+s12], $0x20, s17, s12, $0xb8;
	[tilespmem:$0x9C00] =	vst v63  }
0x23: {  	_ = 	snop  }
0x24: {  	[tilespmem:s20], [sflag:$0x1] =	stream.indirect.gather [hbm4b:s2+s12], $0x20, s19, s12, $0xb8;
	[tilespmem:$0x9C00] =	vst v63  }
0x25: {  	_ = 	snop  }
0x26: {  	[tilespmem:s21], [sflag:$0x1] =	stream.indirect.gather [hbm4b:s3+s12], $0x20, s11, s12, $0xb8;
	[tilespmem:$0x9C00] =	vst v63  }
0x27: {  	_ = 	snop  }
0x28: {  	[tilespmem:s23], [sflag:$0x1] =	stream.indirect.gather [hbm4b:s3+s12], $0x20, s22, s12, $0xb8;
	[tilespmem:$0x9C00] =	vst v63  }
0x29: {  	_ = 	snop  }
0x2a: {  	[tilespmem:s25], [sflag:$0x1] =	stream.indirect.gather [hbm4b:s3+s12], $0x20, s24, s12, $0xb8;
	[tilespmem:$0x9C00] =	vst v63  }
0x2b: {  	_ =	swait.ge [sflag:s26], $0x1000  }
0x2c: {  	[sflag:s26] =	ssyncset.done $0x0  }
0x2d: {  	[sflag:s26] =	ssyncadd.s32 $0xFFFFF000  }
0x2e: {  	_ =	swait.ge [sflag:s26], $0x1000  }
0x2f: {  	[sflag:s26] =	ssyncset.done $0x0  }
0x30: {  	[sflag:s26] =	ssyncadd.s32 $0xFFFFF000  }
0x31: {  	_ =	swait.ge [sflag:s26], $0x1000  }
0x32: {  	[sflag:s26] =	ssyncset.done $0x0  }
0x33: {  	[sflag:s26] =	ssyncadd.s32 $0xFFFFF000  }
0x34: {  	_ =	swait.ge [sflag:s26], $0x1000  }
0x35: {  	[sflag:s26] =	ssyncset.done $0x0  }
0x36: {  	[sflag:s26] =	ssyncadd.s32 $0xFFFFF000  }
0x37: {  	_ =	swait.ge [sflag:s26], $0x1000  }
0x38: {  	[sflag:s26] =	ssyncset.done $0x0  }
0x39: {  	[sflag:s26] =	ssyncadd.s32 $0xFFFFF000  }
0x3a: {  	_ =	swait.ge [sflag:s26], $0x1000  }
0x3b: {  	[sflag:s26] =	ssyncset.done $0x0  }
0x3c: {  	[sflag:s26] =	ssyncadd.s32 $0xFFFFF000  }
0x3d: {  	_ =	swait.ge [sflag:s26], $0x1000  }
0x3e: {  	[sflag:s26] =	ssyncset.done $0x0  }
0x3f: {  	[sflag:s26] =	ssyncadd.s32 $0xFFFFF000  }
0x40: {  	_ =	swait.ge [sflag:s26], $0x1000  }
0x41: {  	[sflag:s26] =	ssyncset.done $0x0  }
0x42: {  	s0 =	simm.s32 $0x4A0;
	[sflag:s26] =	ssyncadd.s32 $0xFFFFF000  }
0x43: {  	v1 =	vld [tilespmem:s0+$0xFFFFFF60]  }
0x44: {  	v2 =	vld [tilespmem:s0+$0xFFFFFF90]  }
0x45: {  	v3 =	vld [tilespmem:s0+$0xFFFFFF80]  }
0x46: {  	v4 =	vld [tilespmem:s0+$0xFFFFFF70]  }
0x47: {  	v5 =	vld [tilespmem:s0+$0xFFFFFFA0]  }
0x48: {  	v6 =	vld [tilespmem:s0+$0xFFFFFFB0]  }
0x49: {  	v7 =	vld [tilespmem:s0+$0xFFFFFFC0]  }
0x4a: {  	v8 =	vld [tilespmem:s0+$0xFFFFFFD0]  }
0x4b: {  	v48 =	vld [tilespmem:s0+$0xFFFFFFF0];
	v1 =	vadd.bf16 v3, v1;
	v2 =	vadd.bf16 v2, v4  }
0x4c: {  	v3 =	vld [tilespmem:s0+$0xFFFFFFE0]  }
0x4d: {  	v49 =	vld [tilespmem:s0+$0x0];
	v1 =	vadd.bf16 v5, v1;
	v2 =	vadd.bf16 v6, v2  }
0x4e: {  	v50 =	vld [tilespmem:s0+$0x10]  }
0x4f: {  	v51 =	vld [tilespmem:s0+$0x20];
	v1 =	vadd.bf16 v7, v1;
	v2 =	vadd.bf16 v8, v2  }
0x50: {  	v52 =	vld [tilespmem:s0+$0x30]  }
0x51: {  	v53 =	vld [tilespmem:s0+$0x50];
	v1 =	vadd.bf16 v3, v1;
	v2 =	vadd.bf16 v48, v2  }
0x52: {  	v3 =	vld [tilespmem:s0+$0x40]  }
0x53: {  	v54 =	vld [tilespmem:s0+$0x60];
	v1 =	vadd.bf16 v49, v1;
	v2 =	vadd.bf16 v50, v2  }
0x54: {  	v55 =	vld [tilespmem:s0+$0x70]  }
0x55: {  	v56 =	vld [tilespmem:s0+$0x80];
	v1 =	vadd.bf16 v51, v1;
	v2 =	vadd.bf16 v52, v2  }
0x56: {  	v57 =	vld [tilespmem:s0+$0x90]  }
0x57: {  	v1 =	vadd.bf16 v3, v1;
	v2 =	vadd.bf16 v53, v2  }
0x58: {  	s4 =	simm.s32 $0x5460  }
0x59: {  	v58 =	vld [tilespmem:s4+$0xFFFFFFA0];
	v1 =	vadd.bf16 v54, v1;
	v2 =	vadd.bf16 v55, v2  }
0x5a: {  	v3 =	vld [tilespmem:s4+$0xFFFFFFB0]  }
0x5b: {  	v1 =	vadd.bf16 v56, v1;
	v2 =	vadd.bf16 v57, v2;
	_ =	sdelay $0x1  }
0x5c: {  	v1 =	vmul.bf16 v0, v1;
	v2 =	vmul.bf16 v0, v2;
	_ =	sdelay $0x1  }
0x5d: {  	v4 =	vmul.bf16 v58, v1;
	v3 =	vmul.bf16 v3, v2;
	_ =	sdelay $0x1  }
0x5e: {  	v3 =	vadd.bf16 v3, v4;
	_ =	sdelay $0x1  }
0x5f: {  	v4 =	vand.u32 $0xFFFF0000, v3;
	v3 =	vshll.u32 v3, $0x10  }
0x60: {  	v3 =	vadd.f32 v3, v4  }
0x61: {  	s29 =	simm.s32 $0x50  }
0x62: {  	[tilespmem:s29+$0x83B0] =	vst v3  }
0x63: {  	v3 =	vld [tilespmem:s4+$0xFFFFFFD0]  }
0x64: {  	v59 =	vld [tilespmem:s4+$0xFFFFFFC0];
	_ =	sdelay $0x4  }
0x65: {  	v3 =	vmul.bf16 v3, v2;
	v4 =	vmul.bf16 v59, v1;
	_ =	sdelay $0x1  }
0x66: {  	v3 =	vadd.bf16 v3, v4;
	_ =	sdelay $0x1  }
0x67: {  	v4 =	vand.u32 $0xFFFF0000, v3;
	v3 =	vshll.u32 v3, $0x10  }
0x68: {  	v3 =	vadd.f32 v3, v4;
	_ =	sdelay $0x1  }
0x69: {  	v3 =	vsub.f32 $0.0e+00, v3;
	_ =	sdelay $0x1  }
0x6a: {  	[tilespmem:s29+$0x83C0] =	vst v3  }
0x6b: {  	v3 =	vld [tilespmem:s4+$0xFFFFFFE0]  }
0x6c: {  	v60 =	vld [tilespmem:s4+$0xFFFFFFF0];
	_ =	sdelay $0x4  }
0x6d: {  	v3 =	vmul.bf16 v3, v1;
	v4 =	vmul.bf16 v60, v2;
	_ =	sdelay $0x1  }
0x6e: {  	v3 =	vadd.bf16 v4, v3;
	_ =	sdelay $0x1  }
0x6f: {  	v4 =	vand.u32 $0xFFFF0000, v3;
	v3 =	vshll.u32 v3, $0x10  }
0x70: {  	v3 =	vadd.f32 v3, v4;
	_ =	sdelay $0x1  }
0x71: {  	v3 =	vsub.f32 $0.0e+00, v3;
	_ =	sdelay $0x1  }
0x72: {  	[tilespmem:s29+$0x83D0] =	vst v3  }
0x73: {  	v3 =	vld [tilespmem:s4+$0x0]  }
0x74: {  	v61 =	vld [tilespmem:s4+$0x10];
	_ =	sdelay $0x4  }
0x75: {  	v3 =	vmul.bf16 v3, v1;
	v4 =	vmul.bf16 v61, v2;
	_ =	sdelay $0x1  }
0x76: {  	v3 =	vadd.bf16 v4, v3;
	_ =	sdelay $0x1  }
0x77: {  	v4 =	vand.u32 $0xFFFF0000, v3;
	v3 =	vshll.u32 v3, $0x10  }
0x78: {  	v3 =	vadd.f32 v3, v4;
	_ =	sdelay $0x1  }
0x79: {  	v3 =	vsub.f32 $0.0e+00, v3;
	_ =	sdelay $0x1  }
0x7a: {  	[tilespmem:s29+$0x83E0] =	vst v3  }
0x7b: {  	v3 =	vld [tilespmem:s4+$0x20]  }
0x7c: {  	v62 =	vld [tilespmem:s4+$0x30];
	_ =	sdelay $0x4  }
0x7d: {  	v3 =	vmul.bf16 v3, v1;
	v4 =	vmul.bf16 v62, v2;
	_ =	sdelay $0x1  }
0x7e: {  	v3 =	vadd.bf16 v4, v3;
	_ =	sdelay $0x1  }
0x7f: {  	v4 =	vand.u32 $0xFFFF0000, v3;
	v3 =	vshll.u32 v3, $0x10  }
0x80: {  	v3 =	vadd.f32 v3, v4;
	_ =	sdelay $0x1  }
0x81: {  	v3 =	vsub.f32 $0.0e+00, v3;
	_ =	sdelay $0x1  }
0x82: {  	[tilespmem:s29+$0x83F0] =	vst v3  }
0x83: {  	v3 =	vld [tilespmem:s4+$0x40]  }
0x84: {  	v63 =	vld [tilespmem:s4+$0x50];
	_ =	sdelay $0x4  }
0x85: {  	v1 =	vmul.bf16 v3, v1;
	v2 =	vmul.bf16 v63, v2;
	_ =	sdelay $0x1  }
0x86: {  	s9 =	simm.s32 $0x2C0;
	v1 =	vadd.bf16 v2, v1  }
.LBB2_3:
0x87: {  	_ = 	snop  }
0x88: {  	p0 =	sne.s32 s9, $0x5FC0;
	s0 =	sadd.s32 $0x140, s0;
	s4 =	sadd.s32 $0xC0, s4;
	v2 =	vand.u32 $0xFFFF0000, v1;
	v1 =	vshll.u32 v1, $0x10  }
0x89: {  	s13 =	smov.u32 s9;
	s9 =	sadd.s32 $0x180, s9;
	v1 =	vadd.f32 v1, v2;
	_ =	sdelay $0x1  }
0x8a: {  	v1 =	vsub.f32 $0.0e+00, v1;
	_ =	sdelay $0x1  }
0x8b: {  	[tilespmem:s29+$0x8400] =	vst v1  }
0x8c: {  	v1 =	vld [tilespmem:s0+$0xFFFFFF60]  }
0x8d: {  	v2 =	vld [tilespmem:s0+$0xFFFFFF90]  }
0x8e: {  	v3 =	vld [tilespmem:s0+$0xFFFFFF80]  }
0x8f: {  	v4 =	vld [tilespmem:s0+$0xFFFFFF70]  }
0x90: {  	v5 =	vld [tilespmem:s0+$0xFFFFFFA0]  }
0x91: {  	v6 =	vld [tilespmem:s0+$0xFFFFFFB0]  }
0x92: {  	v7 =	vld [tilespmem:s0+$0xFFFFFFC0]  }
0x93: {  	v1 =	vadd.bf16 v3, v1;
	v3 =	vld [tilespmem:s0+$0xFFFFFFD0]  }
0x94: {  	v2 =	vadd.bf16 v2, v4;
	v4 =	vld [tilespmem:s0+$0xFFFFFFE0]  }
0x95: {  	v1 =	vadd.bf16 v5, v1;
	v5 =	vld [tilespmem:s0+$0xFFFFFFF0]  }
0x96: {  	v2 =	vadd.bf16 v6, v2;
	v6 =	vld [tilespmem:s0+$0x0]  }
0x97: {  	v1 =	vadd.bf16 v7, v1;
	v7 =	vld [tilespmem:s0+$0x10]  }
0x98: {  	v2 =	vadd.bf16 v3, v2;
	v3 =	vld [tilespmem:s0+$0x20]  }
0x99: {  	v1 =	vadd.bf16 v4, v1;
	v4 =	vld [tilespmem:s0+$0x30]  }
0x9a: {  	v2 =	vadd.bf16 v5, v2;
	v5 =	vld [tilespmem:s0+$0x40]  }
0x9b: {  	v1 =	vadd.bf16 v6, v1;
	v6 =	vld [tilespmem:s0+$0x50]  }
0x9c: {  	v2 =	vadd.bf16 v7, v2;
	v7 =	vld [tilespmem:s0+$0x60]  }
0x9d: {  	v1 =	vadd.bf16 v3, v1;
	v3 =	vld [tilespmem:s0+$0x70]  }
0x9e: {  	v2 =	vadd.bf16 v4, v2;
	v4 =	vld [tilespmem:s0+$0x80]  }
0x9f: {  	v1 =	vadd.bf16 v5, v1;
	v5 =	vld [tilespmem:s0+$0x90]  }
0xa0: {  	v2 =	vadd.bf16 v6, v2  }
0xa1: {  	v1 =	vadd.bf16 v7, v1  }
0xa2: {  	v2 =	vadd.bf16 v3, v2;
	v3 =	vld [tilespmem:s4+$0xFFFFFFB0]  }
0xa3: {  	v1 =	vadd.bf16 v4, v1;
	v4 =	vld [tilespmem:s4+$0xFFFFFFA0]  }
0xa4: {  	v5 =	vadd.bf16 v5, v2;
	_ =	sdelay $0x1  }
0xa5: {  	v2 =	vmul.bf16 v0, v1;
	v1 =	vmul.bf16 v0, v5;
	_ =	sdelay $0x1  }
0xa6: {  	v4 =	vmul.bf16 v4, v2;
	v3 =	vmul.bf16 v3, v1;
	_ =	sdelay $0x1  }
0xa7: {  	v3 =	vadd.bf16 v3, v4;
	_ =	sdelay $0x1  }
0xa8: {  	v4 =	vand.u32 $0xFFFF0000, v3;
	v3 =	vshll.u32 v3, $0x10  }
0xa9: {  	v3 =	vadd.f32 v3, v4  }
0xaa: {  	s29 =	sshra.s32 s13, $0x2  }
0xab: {  	[tilespmem:s29+$0x83B0] =	vst v3  }
0xac: {  	v3 =	vld [tilespmem:s4+$0xFFFFFFD0]  }
0xad: {  	v4 =	vld [tilespmem:s4+$0xFFFFFFC0];
	_ =	sdelay $0x3  }
0xae: {  	v3 =	vmul.bf16 v3, v1  }
0xaf: {  	v4 =	vmul.bf16 v4, v2;
	_ =	sdelay $0x1  }
0xb0: {  	v3 =	vadd.bf16 v3, v4;
	_ =	sdelay $0x1  }
0xb1: {  	v4 =	vand.u32 $0xFFFF0000, v3;
	v3 =	vshll.u32 v3, $0x10  }
0xb2: {  	v3 =	vadd.f32 v3, v4;
	_ =	sdelay $0x1  }
0xb3: {  	v3 =	vsub.f32 $0.0e+00, v3;
	_ =	sdelay $0x1  }
0xb4: {  	[tilespmem:s29+$0x83C0] =	vst v3  }
0xb5: {  	v3 =	vld [tilespmem:s4+$0xFFFFFFE0]  }
0xb6: {  	v4 =	vld [tilespmem:s4+$0xFFFFFFF0];
	_ =	sdelay $0x3  }
0xb7: {  	v3 =	vmul.bf16 v3, v2  }
0xb8: {  	v4 =	vmul.bf16 v4, v1;
	_ =	sdelay $0x1  }
0xb9: {  	v3 =	vadd.bf16 v4, v3;
	_ =	sdelay $0x1  }
0xba: {  	v4 =	vand.u32 $0xFFFF0000, v3;
	v3 =	vshll.u32 v3, $0x10  }
0xbb: {  	v3 =	vadd.f32 v3, v4;
	_ =	sdelay $0x1  }
0xbc: {  	v3 =	vsub.f32 $0.0e+00, v3;
	_ =	sdelay $0x1  }
0xbd: {  	[tilespmem:s29+$0x83D0] =	vst v3  }
0xbe: {  	v3 =	vld [tilespmem:s4+$0x0]  }
0xbf: {  	v4 =	vld [tilespmem:s4+$0x10];
	_ =	sdelay $0x3  }
0xc0: {  	v3 =	vmul.bf16 v3, v2  }
0xc1: {  	v4 =	vmul.bf16 v4, v1;
	_ =	sdelay $0x1  }
0xc2: {  	v3 =	vadd.bf16 v4, v3;
	_ =	sdelay $0x1  }
0xc3: {  	v4 =	vand.u32 $0xFFFF0000, v3;
	v3 =	vshll.u32 v3, $0x10  }
0xc4: {  	v3 =	vadd.f32 v3, v4;
	_ =	sdelay $0x1  }
0xc5: {  	v3 =	vsub.f32 $0.0e+00, v3;
	_ =	sdelay $0x1  }
0xc6: {  	[tilespmem:s29+$0x83E0] =	vst v3  }
0xc7: {  	v3 =	vld [tilespmem:s4+$0x20]  }
0xc8: {  	v4 =	vld [tilespmem:s4+$0x30];
	_ =	sdelay $0x3  }
0xc9: {  	v3 =	vmul.bf16 v3, v2  }
0xca: {  	v4 =	vmul.bf16 v4, v1;
	_ =	sdelay $0x1  }
0xcb: {  	v3 =	vadd.bf16 v4, v3;
	_ =	sdelay $0x1  }
0xcc: {  	v4 =	vand.u32 $0xFFFF0000, v3;
	v3 =	vshll.u32 v3, $0x10  }
0xcd: {  	v3 =	vadd.f32 v3, v4;
	_ =	sdelay $0x1  }
0xce: {  	v3 =	vsub.f32 $0.0e+00, v3;
	_ =	sdelay $0x1  }
0xcf: {  	[tilespmem:s29+$0x83F0] =	vst v3  }
0xd0: {  	v3 =	vld [tilespmem:s4+$0x40]  }
0xd1: {  	v4 =	vld [tilespmem:s4+$0x50];
	_ =	sdelay $0x2  }
.Ltmp0:
0xd2: {  	(pc) =	sbr.rel @p0 .LBB2_3-.Ltmp0, $3  }
0xd3: {  	v2 =	vmul.bf16 v3, v2  }
0xd4: {  	v1 =	vmul.bf16 v4, v1;
	_ =	sdelay $0x1  }
0xd5: {  	v1 =	vadd.bf16 v1, v2  }
0xd6: {  	_ = 	snop  }
0xd7: {  	v2 =	vand.u32 $0xFFFF0000, v1;
	v1 =	vshll.u32 v1, $0x10  }
0xd8: {  	v1 =	vadd.f32 v1, v2;
	_ =	sdelay $0x1  }
0xd9: {  	s0 =	smul.u32 $0xC, s31;
	s30 =	sadd.s32 $0x1, s30;
	v1 =	vsub.f32 $0.0e+00, v1  }
0xda: {  	p0 =	sne.s32 s30, $0x8  }
.Ltmp1:
0xdb: {  	s0 =	sadd.s32 s7, s0;
	[tilespmem:s29+$0x8400] =	vst v1;
	(pc) =	sbr.rel @p0 .LBB2_2-.Ltmp1, $4  }
0xdc: {  	[hbm4b:s0+s1] =	stream.linear.scatter [tilespmem:s28], [sflag:$0x2], $0x1800, $0x38;
	[tilespmem:$0x9C00] =	vst v63  }
0xdd: {  	_ =	swait.ge [sflag:s10], $0x1800  }
0xde: {  	[sflag:s10] =	ssyncset.done $0x0  }
0xdf: {  	[sflag:s10] =	ssyncadd.s32 $0xFFFFE800  }
0xe0: {  	s4 =	rddreg [dreg:$0x3]  }
0xe1: {  	s0 =	rddreg [dreg:$0x2];
	s4 =	sadd.s32 $0x1, s4  }
0xe2: {  	p0 =	sne.s32 s4, s0  }
.Ltmp2:
0xe3: {  	_ = 	snop;
	(pc) =	sbr.rel @p0 .LBB2_1-.Ltmp2, $1  }
0xe4: {  	_ =	sdelay $0x3  }
0xe5: {  	_ =	sfence.sel $0x180000  }
0xe6: {  	[bflag:$0x0] =	sbarrier.arrive $0xFFFF  }
0xe7: {  	_ =	strace $0x9000004D  }
0xe8: {  	s0 =	stileid.u32;
	[bflag:$0x2] =	sbarrier.arrive $0xFFFF  }
0xe9: {  	p0 =	sne.s32 s0, $0x0;
	s0 =	rddreg [dreg:$0x1]  }
0xea: {  	s0 =	sadd.s32 @!p0 $0x100000, s0  }
0xeb: {  	[sflag:s0] =	ssyncadd.tile.s32 @!p0 $0x1;
	_ =	shalt  }
.Lfunc_end2:
_tile_overlayer_lowered:
.L_overlay_start_2:
0xec: {  	(tag) =	ssettag $0x2  }
0xed: {  	s0 =	rddreg [dreg:$0x0];
	s2 =	stileid.u32  }
0xee: {  	s1 =	rddreg [dreg:$0x1];
	p0 =	sne.s32 s2, $0x0  }
0xef: {  	s3 =	rddreg [dreg:$0x2];
	[bflag:$0x3] =	sbarrier.arrive $0xFFFF;
	s2 =	simm.s32 @!p0 $0x1C02  }
0xf0: {  	[timem:s3], [sflag:s2] =	dma.local @!p0 [hbm:s0], s1  }
0xf1: {  	s0 =	simm.s32 @!p0 $0x2  }
0xf2: {  	_ =	swait.ge @!p0 [sflag:s0], s1  }
0xf3: {  	s1 =	ssub.s32 @!p0 $0x0, s1;
	[sflag:s0] =	ssyncset.done @!p0 $0x0  }
0xf4: {  	[sflag:s0] =	ssyncadd.s32 @!p0 s1  }
0xf5: {  	[bflag:$0x3] =	sbarrier.arrive $0xFFFF  }
0xf6: {  	_ =	shalt  }

// kernel: sparse-core-data-format-call.1.cloned.1.call-start
scs
called_computation.1_lowered:
.L_overlay_start_0:
0x0: {  	s2 =	sld [smem:$0x3FD9]  }
0x1: {  	s3 =	sld [smem:$0x3FFE];
	_ =	sdelay $0x1  }
0x2: {  	s1 =	srdreg.scid  }
0x3: {  	s0 =	sand.u32 $0x1, s1  }
0x4: {  	s18 =	sshll.u32 s0, $0xA;
	s2 =	sadd.s32 s3, s2  }
0x5: {  	s2 =	sadd.s32 s2, s18  }
0x6: {  	[smem:$0x3FC3] =	sst s2  }
0x7: {  	_ = 	snop  }
0x8: {  	(tm) =	ssettm $0x1  }
0x9: {  	s19 =	sld [smem:$0x3FFB];
	_ =	sdelay $0x3  }
0xa: {  	_ =	strace s19  }
0xb: {  	s2 =	sld [smem:$0x3FFC];
	_ =	sdelay $0x3  }
0xc: {  	_ =	strace s2  }
0xd: {  	s2 =	sld [smem:$0x3FFD];
	_ =	sdelay $0x3  }
0xe: {  	_ =	strace s2  }
0xf: {  	_ =	strace $0x8FFFFFFF  }
0x10: {  	s20 =	sld [smem:$0x3FDB];
	_ =	sdelay $0x1  }
0x11: {  	s21 =	simm.s32 $_scs_section_size  }
0x12: {  	s4 =	simm.s32 $_size__tile_overlayer_lowered;
	s5 =	simm.s32 $_tile_overlayer_lowered  }
0x13: {  	s6 =	simm.s32 $0x1BFF;
	s22 =	sshll.u32 s5, $0x1;
	s3 =	sadd.s32 s21, s20  }
0x14: {  	s23 =	simm.s32 $0x0;
	s4 =	sshll.u32 s4, $0x1;
	s5 =	sadd.s32 s22, s3  }
0x15: {  	[timem:s23], [sflag:s6] =	dma.local [hbm:s5], s4  }
0x16: {  	_ =	swait.ge [sflag:s6], s4  }
0x17: {  	s4 =	ssub.s32 $0x0, s4;
	[sflag:s6] =	ssyncset.done $0x0  }
0x18: {  	[sflag:s6] =	ssyncadd.s32 s4;
	_ =	sdelay $0x1  }
0x19: {  	s24 =	simm.s32 $0x1B8B  }
0x1a: {  	_ =	swait.ge [sflag:s24], $0x1  }
0x1b: {  	[sflag:s24] =	ssyncset.done $0x0  }
0x1c: {  	[sflag:s24] =	ssyncadd.s32 $0xFFFFFFFF  }
0x1d: {  	s4 =	sld [smem:$0x0]  }
0x1e: {  	s5 =	sand.u32 $0xFFFFFFFE, s1  }
0x1f: {  	p0 =	sne.s32 s1, s5  }
0x20: {  	s5 =	sshll.u32 @p0 s5, $0xE  }
0x21: {  	s5 =	sadd.s32 @p0 $0x11B8D, s5;
	s6 =	sshll.u32 @p0 s4, $0x11  }
0x22: {  	s5 =	sor.u32 @p0 s6, s5  }
0x23: {  	[sflag:s5] =	ssyncadd.remote.s32 @p0 $0x1;
	_ =	sdelay $0x1  }
0x24: {  	s5 =	simm.s32 @p0 $0x1B8D  }
0x25: {  	_ =	swait.eq @p0 [sflag:s5], $0x1  }
0x26: {  	[sflag:s5] =	ssyncadd.s32 @p0 $0xFFFFFFFF  }
0x27: {  	s6 =	sshll.u32 @!p0 s1, $0xE  }
0x28: {  	s6 =	sor.u32 @!p0 $0x4000, s6;
	s5 =	simm.s32 @!p0 $0x1B8D  }
0x29: {  	s4 =	sshll.u32 @!p0 s4, $0x11;
	s6 =	sadd.s32 @!p0 $0x11B8D, s6;
	_ =	swait.eq @!p0 [sflag:s5], $0x1  }
0x2a: {  	s4 =	sor.u32 @!p0 s4, s6;
	[sflag:s5] =	ssyncadd.s32 @!p0 $0xFFFFFFFF  }
0x2b: {  	s26 =	simm.s32 $0x1B8E;
	s25 =	sld [smem:$0x3FFE];
	[sflag:s4] =	ssyncadd.remote.s32 @!p0 $0x1  }
0x2c: {  	s27 =	simm.s32 $execute0_lowered;
	[smem:$0x3FD2] =	sst s26  }
0x2d: {  	s5 =	sshll.u32 s27, $0x1;
	_ =	strace $0x80000049;
	[dreg:$0x1] =	wrdreg $0xFFFFFFFF  }
0x2e: {  	s28 =	simm.s32 $_size_execute0_lowered;
	s3 =	sadd.s32 s3, s5;
	[dreg:$0x0] =	wrdreg $0x0  }
0x2f: {  	s5 =	sshll.u32 s28, $0x1;
	[dreg:$0x2] =	wrdreg s3  }
0x30: {  	[dreg:$0x3] =	wrdreg s5  }
0x31: {  	[dreg:$0x4] =	wrdreg $0xC0  }
0x32: {  	_ =	task [dreg:s23], $0x5FFFF  }
0x33: {  	[dreg:$0x1] =	wrdreg $0xFFFFFFFF  }
0x34: {  	[dreg:$0x0] =	wrdreg $0x60  }
0x35: {  	[dreg:$0x2] =	wrdreg s25  }
0x36: {  	[dreg:$0x3] =	wrdreg $0xA  }
0x37: {  	_ =	task.clear_ibuf [dreg:s23], $0x4FFFF;
	_ =	strace $0x90000049  }
0x38: {  	s29 =	simm.s32 $0xA;
	_ =	strace $0x8000004B  }
0x39: {  	_ =	swait.ge [sflag:s29], $0x1  }
0x3a: {  	[sflag:s29] =	ssyncadd.s32 $0xFFFFFFFF  }
0x3b: {  	_ =	strace $0x9000004B  }
0x3c: {  	_ =	sfence  }
0x3d: {  	s30 =	sld [smem:$0x0];
	_ =	sdelay $0x2  }
0x3e: {  	s31 =	sshll.u32 s1, $0xD;
	s1 =	sshrl.u32 s1, $0x2  }
0x3f: {  	s4 =	sand.u32 $0x4000, s31;
	s1 =	sadd.s32 s1, s30  }
0x40: {  	s0 =	sor.u32 s4, s0;
	s1 =	sshll.u32 s1, $0x11  }
0x41: {  	s0 =	sor.u32 s1, s0  }
0x42: {  	s0 =	sadd.s32 $0x8F2B, s0  }
0x43: {  	[sflag:s0] =	ssyncadd.remote.s32 $0x1  }
0x44: {  	_ =	sfence.sel $0xFFFF  }
0x45: {  	[dreg:$0x0] =	wrdreg $0xFFFFFFFF;
	(pc) =	sbr.abs _section_cstart, $3  }
0x46: {  	[dreg:$0x1] =	wrdreg $0xFFFFFFFF  }
0x47: {  	_ =	task.clear_ibuf [dreg:s23], $0x2FFFF;
	_ =	strace $0x9FFFFFFF  }
0x48: {  	(tm) =	ssettm $0x7FFFFFFF  }
0x49: {  	_ =	shalt  }
tec
execute0_lowered:
.L_overlay_start_1:
0x0: {  	(tag) =	ssettag $0x1  }
0x1: {  	s0 =	srdreg.scid  }
0x2: {  	s5 =	rddreg [dreg:$0x0];
	s1 =	sshll.u32 s0, $0x4  }
0x3: {  	s4 =	simm.s32 $0x1;
	s0 =	stileid.u32;
	s1 =	sand.u32 $0x10, s1  }
0x4: {  	s8 =	simm.s32 $0x2;
	s12 =	simm.s32 $0x0;
	s2 =	sor.u32 s0, s1  }
0x5: {  	s11 =	simm.s32 $0x0;
	s9 =	simm.s32 $0x0;
	s2 =	sshll.u32 s2, $0x7  }
0x6: {  	s10 =	simm.s32 $0x0;
	s3 =	sadd.s32 $0x7AC200, s5;
	s6 =	ssub.s32 $0x3D580, s2  }
.Ltmp0:
0x7: {  	s1 =	rddreg [dreg:$0x1];
	s7 =	sand.u32 $0xF80, s6;
	(pc) =	sbr.rel .LBB1_1-.Ltmp0, $4  }
0x8: {  	_ =	strace $0x8000004A;
	p0 =	sne.s32 s7, $0x0;
	s7 =	simm.s32 $0x1  }
0x9: {  	[sflag:s4] =	ssyncpa.u1 $0x0;
	s6 =	sshrl.u32 s6, $0xC;
	s7 =	simm.s32 @!p0 $0x0  }
0xa: {  	s5 =	sadd.s32 $0xB81A00, s5;
	[sflag:s8] =	ssyncpa.u1 $0x0;
	s6 =	sadd.s32 s7, s6  }
0xb: {  	s8 =	smov.u32 s2;
	p0 =	por $0x0, $0x0;
	s7 =	sadd.s32 $0x1, s6  }
.LBB1_4:
0xc: {  	s12 =	sshll.u32 s12, $0x7;
	s18 =	sshll.u32 s11, $0x3  }
0xd: {  	v5 =	vld [tilespmem:s16+$0xFFFFFFD0];
	[tilespmem:s15+$0x2040 ss:$0x81] =	vst.msk $0xffff, v4;
	s19 =	sand.u32 $0xFFFFFC00, s12;
	s18 =	sand.u32 $0xFFFFFC00, s18  }
0xe: {  	v58 =	vld [tilespmem:s16+$0xFFFFFFE0];
	[tilespmem:s15+$0x2850 ss:$0x81] =	vst.msk $0xffff, v3;
	s12 =	sand.u32 $0x380, s12;
	s18 =	sadd.s32 s18, s19  }
0xf: {  	s17 =	sshra.s32 s17, $0x2;
	v59 =	vld [tilespmem:s16+$0xFFFFFFF0];
	[tilespmem:s15+$0x3060 ss:$0x81] =	vst.msk $0xffff, v2;
	s12 =	sor.u32 s12, s18  }
0x10: {  	v60 =	vld [tilespmem:s16+$0x0];
	[tilespmem:s15+$0x0 ss:$0x81] =	vst.msk $0xffff, v0;
	s14 =	sadd.s32 s17, s14;
	s12 =	sshrl.u32 s12, $0x7  }
0x11: {  	v61 =	vld [tilespmem:s16+$0x10];
	[tilespmem:s14+$0x3870 ss:$0x81] =	vst.msk $0xffff, v1;
	s28 =	smulhi.u32 $0x2162B8F, s12  }
0x12: {  	v62 =	vld [tilespmem:s16+$0x20];
	[tilespmem:s14+$0x810 ss:$0x81] =	vst.msk $0xffff, v5  }
0x13: {  	v63 =	vld [tilespmem:s16+$0xFFFFFFC0];
	[tilespmem:s14+$0x1020 ss:$0x81] =	vst.msk $0xffff, v58;
	s15 =	sshrl.u32 s28, $0xB  }
0x14: {  	[tilespmem:s14+$0x1830 ss:$0x81] =	vst.msk $0xffff, v59;
	s15 =	smul.u32 $0x3D580, s15  }
0x15: {  	s29 =	sshrl.u32 s11, $0x3;
	[tilespmem:s14+$0x2040 ss:$0x81] =	vst.msk $0xffff, v60  }
0x16: {  	s30 =	sand.u32 $0xF, s29;
	[tilespmem:s14+$0x2850 ss:$0x81] =	vst.msk $0xffff, v61;
	s12 =	ssub.s32 s12, s15  }
0x17: {  	[tilespmem:s14+$0x3060 ss:$0x81] =	vst.msk $0xffff, v62;
	s15 =	sadd.s32 s5, s30;
	s12 =	sshll.u32 s12, $0x4  }
0x18: {  	s31 =	sand.u32 $0x7, s11;
	[tilespmem:s14+$0x0 ss:$0x81] =	vst.msk $0xffff, v63;
	s12 =	sadd.s32 s12, s15  }
0x19: {  	[hbm4b:s12+s31] =	stream.linear.scatter [tilespmem:s13], [sflag:$0x2], $0x4000, $0x20;
	[tilespmem:$0x10100] =	vst v63  }
.LBB1_5:
0x1a: {  	s13 =	sadd.s32 $0x1000, s8  }
0x1b: {  	s11 =	sadd.s32 $0x80, s9;
	s15 =	smov.u32 s9;
	p2 =	sgt.s32 s13, $0x3D57F  }
0x1c: {  	s15 =	smov.u32 @p2 s11  }
0x1d: {  	s13 =	smov.u32 @p2 s2;
	p2 =	sgt.s32 s15, $0x7F  }
0x1e: {  	s15 =	simm.s32 @p2 $0x0;
	p2 =	sne.s32 s10, s7  }
.Ltmp1:
0x1f: {  	p1 =	slt.u32 s10, $0x2;
	(pc) =	sbr.rel @!p2 .LBB1_6-.Ltmp1, $4  }
0x20: {  	s14 =	simm.s32 @!p1 $0x2  }
0x21: {  	s12 =	smov.u32 s8;
	p0 =	por !p0, !p0;
	_ =	swait.ge @!p1 [sflag:s14], $0x4000  }
0x22: {  	s11 =	smov.u32 s9;
	[sflag:s14] =	ssyncset.done @!p1 $0x0;
	s8 =	smov.u32 s13  }
0x23: {  	s10 =	sadd.s32 $0x1, s10;
	[sflag:s14] =	ssyncadd.s32 @!p1 $0xFFFFC000;
	s9 =	smov.u32 s15  }
.LBB1_1:
0x24: {  	p1 =	sge.u32 s10, s6  }
0x25: {  	s13 =	sshrl.u32 @!p1 s9, $0x3  }
0x26: {  	s14 =	sshll.u32 @!p1 s8, $0x3;
	s13 =	smul.u32 @!p1 $0x1EAC00, s13  }
0x27: {  	s15 =	sshll.u32 @!p1 s9, $0x7;
	s14 =	sand.u32 @!p1 $0xFFFFFC00, s14  }
0x28: {  	s13 =	sadd.s32 @!p1 s13, s14;
	s14 =	sand.u32 @!p1 $0x380, s15  }
0x29: {  	s13 =	sor.u32 @!p1 s14, s13  }
0x2a: {  	s14 =	sshrl.u32 @!p1 s13, $0x7  }
0x2b: {  	s14 =	smulhi.u32 @!p1 $0x2162B8F, s14;
	_ =	sdelay $0x1  }
0x2c: {  	s14 =	sshrl.u32 @!p1 s14, $0x4  }
0x2d: {  	s15 =	sand.u32 @!p1 $0x7F, s8;
	s16 =	smul.u32 @!p1 $0x3D580, s14  }
0x2e: {  	s31 =	sadd.s32 $0xFFFFFFFF, s10;
	s13 =	sor.u32 @!p1 s15, s13;
	s15 =	sxor.u32 @!p1 $0xFFFFFFFF, s10  }
0x2f: {  	s15 =	sshll.u32 @!p1 s15, $0xE;
	s14 =	sand.u32 @!p1 $0x7F, s14;
	s13 =	ssub.s32 @!p1 s13, s16  }
0x30: {  	s14 =	smul.u32 @!p1 $0x7AB0, s14;
	s16 =	sshrl.u32 @!p1 s13, $0x3;
	s13 =	sand.u32 @!p1 $0x7, s13  }
0x31: {  	s15 =	sand.u32 @!p1 $0x4000, s15;
	s16 =	sadd.s32 @!p1 s3, s16;
	s13 =	sshll.u32 @!p1 s13, $0x12  }
0x32: {  	s14 =	sadd.s32 @!p1 s14, s16;
	s13 =	sor.u32 @!p1 $0x400, s13;
	s16 =	simm.s32 @!p1 $0x1EAC00  }
0x33: {  	[tilespmem:s15], [sflag:$0x1] =	stream.strided.gather @!p1 [hbm4b:s14+s13], $0x4000, s16, s13, $0x38;
	[tilespmem:$0x10100] =	vst v63  }
0x34: {  	p1 =	sge.u32 s31, s6  }
.Ltmp2:
0x35: {  	_ = 	snop;
	(pc) =	sbr.rel @p1 .LBB1_5-.Ltmp2, $1  }
0x36: {  	_ =	sdelay $0x3  }
0x37: {  	s13 =	simm.s32 $0x1  }
0x38: {  	_ =	swait.ge [sflag:s4], $0x4000;
	s13 =	simm.s32 @!p0 $0x0  }
0x39: {  	[sflag:s4] =	ssyncset.done $0x0;
	s14 =	sshll.u32 s13, $0xE  }
0x3a: {  	[sflag:s4] =	ssyncadd.s32 $0xFFFFC000;
	s16 =	sor.u32 $0x40, s14  }
0x3b: {  	s13 =	smul.u32 $0x10200, s13;
	v0 =	vld [tilespmem:s16+$0x30]  }
0x3c: {  	v1 =	vld [tilespmem:s16+$0xFFFFFFD0]  }
0x3d: {  	s13 =	sshrl.u32 s13, $0x2;
	v5 =	vld [tilespmem:s16+$0xFFFFFFE0]  }
0x3e: {  	v6 =	vld [tilespmem:s16+$0xFFFFFFF0];
	s14 =	sor.u32 $0x8000, s13  }
0x3f: {  	s31 =	sand.u32 $0x1, s10;
	v4 =	vld [tilespmem:s16+$0x0];
	s15 =	sadd.s32 $0x0, s14  }
0x40: {  	v3 =	vld [tilespmem:s16+$0x10];
	s13 =	smul.u32 $0x10200, s31;
	[tilespmem:s15+$0x3870 ss:$0x81] =	vst.msk $0xffff, v0  }
0x41: {  	v2 =	vld [tilespmem:s16+$0x20];
	[tilespmem:s15+$0x810 ss:$0x81] =	vst.msk $0xffff, v1  }
0x42: {  	s13 =	sshrl.u32 s13, $0x2;
	v0 =	vld [tilespmem:s16+$0xFFFFFFC0];
	[tilespmem:s15+$0x1020 ss:$0x81] =	vst.msk $0xffff, v5;
	s16 =	sadd.s32 $0x80, s16  }
0x43: {  	s17 =	simm.s32 $0x4;
	s18 =	simm.s32 $0x8;
	s13 =	sor.u32 $0x8000, s13;
	[tilespmem:s15+$0x1830 ss:$0x81] =	vst.msk $0xffff, v6;
	v1 =	vld [tilespmem:s16+$0x30]  }
.LBB1_3:
0x44: {  	p1 =	sne.s32 s18, $0x1FC;
	v5 =	vld [tilespmem:s16+$0xFFFFFFD0];
	[tilespmem:s15+$0x2040 ss:$0x81] =	vst.msk $0xffff, v4  }
0x45: {  	v6 =	vld [tilespmem:s16+$0xFFFFFFE0];
	[tilespmem:s15+$0x2850 ss:$0x81] =	vst.msk $0xffff, v3  }
0x46: {  	s19 =	sshra.s32 s17, $0x2;
	s17 =	smov.u32 s18;
	v7 =	vld [tilespmem:s16+$0xFFFFFFF0];
	[tilespmem:s15+$0x3060 ss:$0x81] =	vst.msk $0xffff, v2  }
.Ltmp3:
0x47: {  	v4 =	vld [tilespmem:s16+$0x0];
	[tilespmem:s15+$0x0 ss:$0x81] =	vst.msk $0xffff, v0;
	s15 =	sadd.s32 s19, s14;
	(pc) =	sbr.rel @p1 .LBB1_3-.Ltmp3, $4  }
0x48: {  	v3 =	vld [tilespmem:s16+$0x10];
	[tilespmem:s15+$0x3870 ss:$0x81] =	vst.msk $0xffff, v1  }
0x49: {  	[tilespmem:s15+$0x810 ss:$0x81] =	vst.msk $0xffff, v5;
	v2 =	vld [tilespmem:s16+$0x20]  }
0x4a: {  	v0 =	vld [tilespmem:s16+$0xFFFFFFC0];
	[tilespmem:s15+$0x1020 ss:$0x81] =	vst.msk $0xffff, v6;
	s16 =	sadd.s32 $0x80, s16  }
0x4b: {  	s18 =	sadd.s32 $0x4, s18;
	v1 =	vld [tilespmem:s16+$0x30];
	[tilespmem:s15+$0x1830 ss:$0x81] =	vst.msk $0xffff, v7  }
.Ltmp4:
0x4c: {  	_ = 	snop;
	(pc) =	sbr.rel .LBB1_4-.Ltmp4, $1  }
0x4d: {  	_ =	sdelay $0x3  }
.LBB1_6:
0x4e: {  	_ =	sfence.sel $0x180000  }
0x4f: {  	s2 =	simm.s32 $0x1;
	[bflag:$0x0] =	sbarrier.arrive $0xFFFF  }
0x50: {  	s31 =	simm.s32 $0x2;
	[sflag:s2] =	ssyncpa.u1 $0x1  }
0x51: {  	[sflag:s31] =	ssyncpa.u1 $0x1  }
0x52: {  	p0 =	sne.s32 s0, $0x0;
	_ =	strace $0x9000004A  }
0x53: {  	s0 =	sadd.s32 @!p0 $0x100000, s1;
	[bflag:$0x2] =	sbarrier.arrive $0xFFFF  }
0x54: {  	[sflag:s0] =	ssyncadd.tile.s32 @!p0 $0x1;
	_ =	shalt  }
.Lfunc_end1:
_tile_overlayer_lowered:
.L_overlay_start_2:
0x55: {  	(tag) =	ssettag $0x2  }
0x56: {  	s0 =	rddreg [dreg:$0x0];
	s2 =	stileid.u32  }
0x57: {  	s1 =	rddreg [dreg:$0x1];
	p0 =	sne.s32 s2, $0x0  }
0x58: {  	s3 =	rddreg [dreg:$0x2];
	[bflag:$0x3] =	sbarrier.arrive $0xFFFF;
	s2 =	simm.s32 @!p0 $0x1C01  }
0x59: {  	[timem:s3], [sflag:s2] =	dma.local @!p0 [hbm:s0], s1  }
0x5a: {  	s0 =	simm.s32 @!p0 $0x1  }
0x5b: {  	_ =	swait.ge @!p0 [sflag:s0], s1  }
0x5c: {  	s1 =	ssub.s32 @!p0 $0x0, s1;
	[sflag:s0] =	ssyncset.done @!p0 $0x0  }
0x5d: {  	[sflag:s0] =	ssyncadd.s32 @!p0 s1  }
0x5e: {  	[bflag:$0x3] =	sbarrier.arrive $0xFFFF  }
0x5f: {  	_ =	shalt  }

// kernel: sparse-core-data-format-call.cloned.1.call-start
scs
called_computation_lowered:
.L_overlay_start_0:
0x0: {  	s1 =	sld [smem:$0x3FD9]  }
0x1: {  	s2 =	sld [smem:$0x3FFE];
	_ =	sdelay $0x1  }
0x2: {  	s3 =	srdreg.scid  }
0x3: {  	s0 =	sand.u32 $0x1, s3  }
0x4: {  	s17 =	sshll.u32 s0, $0xA;
	s1 =	sadd.s32 s2, s1  }
0x5: {  	s1 =	sadd.s32 s1, s17  }
0x6: {  	[smem:$0x3FC3] =	sst s1  }
0x7: {  	_ = 	snop  }
0x8: {  	(tm) =	ssettm $0x1  }
0x9: {  	s18 =	sld [smem:$0x3FFB];
	_ =	sdelay $0x3  }
0xa: {  	_ =	strace s18  }
0xb: {  	s1 =	sld [smem:$0x3FFC];
	_ =	sdelay $0x3  }
0xc: {  	_ =	strace s1  }
0xd: {  	s1 =	sld [smem:$0x3FFD];
	_ =	sdelay $0x3  }
0xe: {  	_ =	strace s1  }
0xf: {  	_ =	strace $0x8FFFFFFF  }
0x10: {  	s19 =	sld [smem:$0x3FDB];
	_ =	sdelay $0x1  }
0x11: {  	s20 =	simm.s32 $_scs_section_size  }
0x12: {  	s4 =	simm.s32 $_size__tile_overlayer_lowered;
	s5 =	simm.s32 $_tile_overlayer_lowered  }
0x13: {  	s23 =	simm.s32 $0x1BFF;
	s22 =	sshll.u32 s5, $0x1;
	s1 =	sadd.s32 s20, s19  }
0x14: {  	s6 =	simm.s32 $0x0;
	s21 =	sshll.u32 s4, $0x1;
	s4 =	sadd.s32 s22, s1  }
0x15: {  	[timem:s6], [sflag:s23] =	dma.local [hbm:s4], s21  }
0x16: {  	_ =	swait.ge [sflag:s23], s21  }
0x17: {  	s2 =	ssub.s32 $0x0, s21;
	[sflag:s23] =	ssyncset.done $0x0  }
0x18: {  	[sflag:s23] =	ssyncadd.s32 s2;
	_ =	sdelay $0x1  }
0x19: {  	s24 =	simm.s32 $0x1B8B  }
0x1a: {  	_ =	swait.ge [sflag:s24], $0x1  }
0x1b: {  	[sflag:s24] =	ssyncset.done $0x0  }
0x1c: {  	s26 =	simm.s32 $0x1B8E;
	s25 =	sld [smem:$0x3FFE];
	[sflag:s24] =	ssyncadd.s32 $0xFFFFFFFF  }
0x1d: {  	s27 =	simm.s32 $execute0_lowered;
	[smem:$0x3FD2] =	sst s26  }
0x1e: {  	s4 =	sshll.u32 s27, $0x1;
	_ =	strace $0x80000046;
	[dreg:$0x1] =	wrdreg $0xFFFFFFFF  }
0x1f: {  	s28 =	simm.s32 $_size_execute0_lowered;
	s1 =	sadd.s32 s1, s4;
	[dreg:$0x0] =	wrdreg $0x0  }
0x20: {  	s4 =	sshll.u32 s28, $0x1;
	[dreg:$0x2] =	wrdreg s1  }
0x21: {  	[dreg:$0x3] =	wrdreg s4  }
0x22: {  	[dreg:$0x4] =	wrdreg $0xC0  }
0x23: {  	_ =	task [dreg:s6], $0x5FFFF  }
0x24: {  	[dreg:$0x1] =	wrdreg $0xFFFFFFFF  }
0x25: {  	[dreg:$0x0] =	wrdreg $0x60  }
0x26: {  	[dreg:$0x2] =	wrdreg s25  }
0x27: {  	[dreg:$0x3] =	wrdreg $0x9  }
0x28: {  	_ =	task.clear_ibuf [dreg:s6], $0x4FFFF;
	_ =	strace $0x90000046  }
0x29: {  	s29 =	simm.s32 $0x9;
	_ =	strace $0x80000048  }
0x2a: {  	_ =	swait.ge [sflag:s29], $0x1  }
0x2b: {  	[sflag:s29] =	ssyncadd.s32 $0xFFFFFFFF  }
0x2c: {  	_ =	strace $0x90000048  }
0x2d: {  	_ =	sfence  }
0x2e: {  	s30 =	sld [smem:$0x0];
	_ =	sdelay $0x2  }
0x2f: {  	s31 =	sshll.u32 s3, $0xD;
	s3 =	sshrl.u32 s3, $0x2  }
0x30: {  	s2 =	sand.u32 $0x4000, s31;
	s1 =	sadd.s32 s3, s30  }
0x31: {  	s0 =	sor.u32 s2, s0;
	s1 =	sshll.u32 s1, $0x11  }
0x32: {  	s0 =	sor.u32 s1, s0  }
0x33: {  	s0 =	sadd.s32 $0x8F2B, s0  }
0x34: {  	[sflag:s0] =	ssyncadd.remote.s32 $0x1  }
0x35: {  	_ =	sfence.sel $0xFFFF  }
0x36: {  	[dreg:$0x0] =	wrdreg $0xFFFFFFFF;
	(pc) =	sbr.abs _section_cstart, $3  }
0x37: {  	[dreg:$0x1] =	wrdreg $0xFFFFFFFF  }
0x38: {  	_ =	task.clear_ibuf [dreg:s6], $0x2FFFF;
	_ =	strace $0x9FFFFFFF  }
0x39: {  	(tm) =	ssettm $0x7FFFFFFF  }
tec
execute0_lowered:
.L_overlay_start_1:
0x0: {  	(tag) =	ssettag $0x1  }
0x1: {  	s0 =	srdreg.scid  }
0x2: {  	s5 =	rddreg [dreg:$0x0];
	s1 =	sshll.u32 s0, $0x4  }
0x3: {  	s4 =	simm.s32 $0x1;
	s0 =	stileid.u32;
	s1 =	sand.u32 $0x10, s1  }
0x4: {  	s8 =	simm.s32 $0x2;
	s12 =	simm.s32 $0x0;
	s2 =	sor.u32 s0, s1  }
0x5: {  	s11 =	simm.s32 $0x0;
	s9 =	simm.s32 $0x0;
	s2 =	sshll.u32 s2, $0x7  }
0x6: {  	s10 =	simm.s32 $0x0;
	s3 =	sadd.s32 $0x1200, s5;
	s6 =	ssub.s32 $0x3D580, s2  }
.Ltmp0:
0x7: {  	s1 =	rddreg [dreg:$0x1];
	s7 =	sand.u32 $0xF80, s6;
	(pc) =	sbr.rel .LBB1_1-.Ltmp0, $4  }
0x8: {  	_ =	strace $0x80000047;
	p0 =	sne.s32 s7, $0x0;
	s7 =	simm.s32 $0x1  }
0x9: {  	[sflag:s4] =	ssyncpa.u1 $0x0;
	s6 =	sshrl.u32 s6, $0xC;
	s7 =	simm.s32 @!p0 $0x0  }
0xa: {  	s5 =	sadd.s32 $0x3D6A00, s5;
	[sflag:s8] =	ssyncpa.u1 $0x0;
	s6 =	sadd.s32 s7, s6  }
0xb: {  	s8 =	smov.u32 s2;
	p0 =	por $0x0, $0x0;
	s7 =	sadd.s32 $0x1, s6  }
.LBB1_4:
0xc: {  	s12 =	sshll.u32 s12, $0x7;
	s18 =	sshll.u32 s11, $0x3  }
0xd: {  	v5 =	vld [tilespmem:s16+$0xFFFFFFD0];
	[tilespmem:s15+$0x2040 ss:$0x81] =	vst.msk $0xffff, v4;
	s19 =	sand.u32 $0xFFFFFC00, s12;
	s18 =	sand.u32 $0xFFFFFC00, s18  }
0xe: {  	v58 =	vld [tilespmem:s16+$0xFFFFFFE0];
	[tilespmem:s15+$0x2850 ss:$0x81] =	vst.msk $0xffff, v3;
	s12 =	sand.u32 $0x380, s12;
	s18 =	sadd.s32 s18, s19  }
0xf: {  	s17 =	sshra.s32 s17, $0x2;
	v59 =	vld [tilespmem:s16+$0xFFFFFFF0];
	[tilespmem:s15+$0x3060 ss:$0x81] =	vst.msk $0xffff, v2;
	s12 =	sor.u32 s12, s18  }
0x10: {  	v60 =	vld [tilespmem:s16+$0x0];
	[tilespmem:s15+$0x0 ss:$0x81] =	vst.msk $0xffff, v0;
	s14 =	sadd.s32 s17, s14;
	s12 =	sshrl.u32 s12, $0x7  }
0x11: {  	v61 =	vld [tilespmem:s16+$0x10];
	[tilespmem:s14+$0x3870 ss:$0x81] =	vst.msk $0xffff, v1;
	s28 =	smulhi.u32 $0x2162B8F, s12  }
0x12: {  	v62 =	vld [tilespmem:s16+$0x20];
	[tilespmem:s14+$0x810 ss:$0x81] =	vst.msk $0xffff, v5  }
0x13: {  	v63 =	vld [tilespmem:s16+$0xFFFFFFC0];
	[tilespmem:s14+$0x1020 ss:$0x81] =	vst.msk $0xffff, v58;
	s15 =	sshrl.u32 s28, $0xB  }
0x14: {  	[tilespmem:s14+$0x1830 ss:$0x81] =	vst.msk $0xffff, v59;
	s15 =	smul.u32 $0x3D580, s15  }
0x15: {  	s29 =	sshrl.u32 s11, $0x3;
	[tilespmem:s14+$0x2040 ss:$0x81] =	vst.msk $0xffff, v60  }
0x16: {  	s30 =	sand.u32 $0xF, s29;
	[tilespmem:s14+$0x2850 ss:$0x81] =	vst.msk $0xffff, v61;
	s12 =	ssub.s32 s12, s15  }
0x17: {  	[tilespmem:s14+$0x3060 ss:$0x81] =	vst.msk $0xffff, v62;
	s15 =	sadd.s32 s5, s30;
	s12 =	sshll.u32 s12, $0x4  }
0x18: {  	s31 =	sand.u32 $0x7, s11;
	[tilespmem:s14+$0x0 ss:$0x81] =	vst.msk $0xffff, v63;
	s12 =	sadd.s32 s12, s15  }
0x19: {  	[hbm4b:s12+s31] =	stream.linear.scatter [tilespmem:s13], [sflag:$0x2], $0x4000, $0x20;
	[tilespmem:$0x10100] =	vst v63  }
.LBB1_5:
0x1a: {  	s13 =	sadd.s32 $0x1000, s8  }
0x1b: {  	s11 =	sadd.s32 $0x80, s9;
	s15 =	smov.u32 s9;
	p2 =	sgt.s32 s13, $0x3D57F  }
0x1c: {  	s15 =	smov.u32 @p2 s11  }
0x1d: {  	s13 =	smov.u32 @p2 s2;
	p2 =	sgt.s32 s15, $0x7F  }
0x1e: {  	s15 =	simm.s32 @p2 $0x0;
	p2 =	sne.s32 s10, s7  }
.Ltmp1:
0x1f: {  	p1 =	slt.u32 s10, $0x2;
	(pc) =	sbr.rel @!p2 .LBB1_6-.Ltmp1, $4  }
0x20: {  	s14 =	simm.s32 @!p1 $0x2  }
0x21: {  	s12 =	smov.u32 s8;
	p0 =	por !p0, !p0;
	_ =	swait.ge @!p1 [sflag:s14], $0x4000  }
0x22: {  	s11 =	smov.u32 s9;
	[sflag:s14] =	ssyncset.done @!p1 $0x0;
	s8 =	smov.u32 s13  }
0x23: {  	s10 =	sadd.s32 $0x1, s10;
	[sflag:s14] =	ssyncadd.s32 @!p1 $0xFFFFC000;
	s9 =	smov.u32 s15  }
.LBB1_1:
0x24: {  	p1 =	sge.u32 s10, s6  }
0x25: {  	s13 =	sshrl.u32 @!p1 s9, $0x3  }
0x26: {  	s14 =	sshll.u32 @!p1 s8, $0x3;
	s13 =	smul.u32 @!p1 $0x1EAC00, s13  }
0x27: {  	s15 =	sshll.u32 @!p1 s9, $0x7;
	s14 =	sand.u32 @!p1 $0xFFFFFC00, s14  }
0x28: {  	s13 =	sadd.s32 @!p1 s13, s14;
	s14 =	sand.u32 @!p1 $0x380, s15  }
0x29: {  	s13 =	sor.u32 @!p1 s14, s13  }
0x2a: {  	s14 =	sshrl.u32 @!p1 s13, $0x7  }
0x2b: {  	s14 =	smulhi.u32 @!p1 $0x2162B8F, s14;
	_ =	sdelay $0x1  }
0x2c: {  	s14 =	sshrl.u32 @!p1 s14, $0x4  }
0x2d: {  	s15 =	sand.u32 @!p1 $0x7F, s8;
	s16 =	smul.u32 @!p1 $0x3D580, s14  }
0x2e: {  	s31 =	sadd.s32 $0xFFFFFFFF, s10;
	s13 =	sor.u32 @!p1 s15, s13;
	s15 =	sxor.u32 @!p1 $0xFFFFFFFF, s10  }
0x2f: {  	s15 =	sshll.u32 @!p1 s15, $0xE;
	s14 =	sand.u32 @!p1 $0x7F, s14;
	s13 =	ssub.s32 @!p1 s13, s16  }
0x30: {  	s14 =	smul.u32 @!p1 $0x7AB0, s14;
	s16 =	sshrl.u32 @!p1 s13, $0x3;
	s13 =	sand.u32 @!p1 $0x7, s13  }
0x31: {  	s15 =	sand.u32 @!p1 $0x4000, s15;
	s16 =	sadd.s32 @!p1 s3, s16;
	s13 =	sshll.u32 @!p1 s13, $0x12  }
0x32: {  	s14 =	sadd.s32 @!p1 s14, s16;
	s13 =	sor.u32 @!p1 $0x400, s13;
	s16 =	simm.s32 @!p1 $0x1EAC00  }
0x33: {  	[tilespmem:s15], [sflag:$0x1] =	stream.strided.gather @!p1 [hbm4b:s14+s13], $0x4000, s16, s13, $0x38;
	[tilespmem:$0x10100] =	vst v63  }
0x34: {  	p1 =	sge.u32 s31, s6  }
.Ltmp2:
0x35: {  	_ = 	snop;
	(pc) =	sbr.rel @p1 .LBB1_5-.Ltmp2, $1  }
0x36: {  	_ =	sdelay $0x3  }
0x37: {  	s13 =	simm.s32 $0x1  }
0x38: {  	_ =	swait.ge [sflag:s4], $0x4000;
	s13 =	simm.s32 @!p0 $0x0  }
0x39: {  	[sflag:s4] =	ssyncset.done $0x0;
	s14 =	sshll.u32 s13, $0xE  }
0x3a: {  	[sflag:s4] =	ssyncadd.s32 $0xFFFFC000;
	s16 =	sor.u32 $0x40, s14  }
0x3b: {  	s13 =	smul.u32 $0x10200, s13;
	v0 =	vld [tilespmem:s16+$0x30]  }
0x3c: {  	v1 =	vld [tilespmem:s16+$0xFFFFFFD0]  }
0x3d: {  	s13 =	sshrl.u32 s13, $0x2;
	v5 =	vld [tilespmem:s16+$0xFFFFFFE0]  }
0x3e: {  	v6 =	vld [tilespmem:s16+$0xFFFFFFF0];
	s14 =	sor.u32 $0x8000, s13  }
0x3f: {  	s31 =	sand.u32 $0x1, s10;
	v4 =	vld [tilespmem:s16+$0x0];
	s15 =	sadd.s32 $0x0, s14  }
0x40: {  	v3 =	vld [tilespmem:s16+$0x10];
	s13 =	smul.u32 $0x10200, s31;
	[tilespmem:s15+$0x3870 ss:$0x81] =	vst.msk $0xffff, v0  }
0x41: {  	v2 =	vld [tilespmem:s16+$0x20];
	[tilespmem:s15+$0x810 ss:$0x81] =	vst.msk $0xffff, v1  }
0x42: {  	s13 =	sshrl.u32 s13, $0x2;
	v0 =	vld [tilespmem:s16+$0xFFFFFFC0];
	[tilespmem:s15+$0x1020 ss:$0x81] =	vst.msk $0xffff, v5;
	s16 =	sadd.s32 $0x80, s16  }
0x43: {  	s17 =	simm.s32 $0x4;
	s18 =	simm.s32 $0x8;
	s13 =	sor.u32 $0x8000, s13;
	[tilespmem:s15+$0x1830 ss:$0x81] =	vst.msk $0xffff, v6;
	v1 =	vld [tilespmem:s16+$0x30]  }
.LBB1_3:
0x44: {  	p1 =	sne.s32 s18, $0x1FC;
	v5 =	vld [tilespmem:s16+$0xFFFFFFD0];
	[tilespmem:s15+$0x2040 ss:$0x81] =	vst.msk $0xffff, v4  }
0x45: {  	v6 =	vld [tilespmem:s16+$0xFFFFFFE0];
	[tilespmem:s15+$0x2850 ss:$0x81] =	vst.msk $0xffff, v3  }
0x46: {  	s19 =	sshra.s32 s17, $0x2;
	s17 =	smov.u32 s18;
	v7 =	vld [tilespmem:s16+$0xFFFFFFF0];
	[tilespmem:s15+$0x3060 ss:$0x81] =	vst.msk $0xffff, v2  }
.Ltmp3:
0x47: {  	v4 =	vld [tilespmem:s16+$0x0];
	[tilespmem:s15+$0x0 ss:$0x81] =	vst.msk $0xffff, v0;
	s15 =	sadd.s32 s19, s14;
	(pc) =	sbr.rel @p1 .LBB1_3-.Ltmp3, $4  }
0x48: {  	v3 =	vld [tilespmem:s16+$0x10];
	[tilespmem:s15+$0x3870 ss:$0x81] =	vst.msk $0xffff, v1  }
0x49: {  	[tilespmem:s15+$0x810 ss:$0x81] =	vst.msk $0xffff, v5;
	v2 =	vld [tilespmem:s16+$0x20]  }
0x4a: {  	v0 =	vld [tilespmem:s16+$0xFFFFFFC0];
	[tilespmem:s15+$0x1020 ss:$0x81] =	vst.msk $0xffff, v6;
	s16 =	sadd.s32 $0x80, s16  }
0x4b: {  	s18 =	sadd.s32 $0x4, s18;
	v1 =	vld [tilespmem:s16+$0x30];
	[tilespmem:s15+$0x1830 ss:$0x81] =	vst.msk $0xffff, v7  }
.Ltmp4:
0x4c: {  	_ = 	snop;
	(pc) =	sbr.rel .LBB1_4-.Ltmp4, $1  }
0x4d: {  	_ =	sdelay $0x3  }
.LBB1_6:
0x4e: {  	_ =	sfence.sel $0x180000  }
0x4f: {  	s2 =	simm.s32 $0x1;
	[bflag:$0x0] =	sbarrier.arrive $0xFFFF  }
0x50: {  	s31 =	simm.s32 $0x2;
	[sflag:s2] =	ssyncpa.u1 $0x1  }
0x51: {  	[sflag:s31] =	ssyncpa.u1 $0x1  }
0x52: {  	p0 =	sne.s32 s0, $0x0;
	_ =	strace $0x90000047  }
0x53: {  	s0 =	sadd.s32 @!p0 $0x100000, s1;
	[bflag:$0x2] =	sbarrier.arrive $0xFFFF  }
0x54: {  	[sflag:s0] =	ssyncadd.tile.s32 @!p0 $0x1;
	_ =	shalt  }
.Lfunc_end1:
_tile_overlayer_lowered:
.L_overlay_start_2:
0x55: {  	(tag) =	ssettag $0x2  }
0x56: {  	s0 =	rddreg [dreg:$0x0];
	s2 =	stileid.u32  }
0x57: {  	s1 =	rddreg [dreg:$0x1];
	p0 =	sne.s32 s2, $0x0  }
0x58: {  	s3 =	rddreg [dreg:$0x2];
	[bflag:$0x3] =	sbarrier.arrive $0xFFFF;
	s2 =	simm.s32 @!p0 $0x1C01  }
0x59: {  	[timem:s3], [sflag:s2] =	dma.local @!p0 [hbm:s0], s1  }
0x5a: {  	s0 =	simm.s32 @!p0 $0x1  }
0x5b: {  	_ =	swait.ge @!p0 [sflag:s0], s1  }
0x5c: {  	s1 =	ssub.s32 @!p0 $0x0, s1;
	[sflag:s0] =	ssyncset.done @!p0 $0x0  }
0x5d: {  	[sflag:s0] =	ssyncadd.s32 @!p0 s1  }
0x5e: {  	[bflag:$0x3] =	sbarrier.arrive $0xFFFF  }
0x5f: {  	_ =	shalt  }

</sc_bundles>
